<compile_context>
chip_gen: v7x
topology: tpu7x:2x2x1
jax: 0.10.2.dev20260603
libtpu: 0.0.44.dev20260713+nightly
codegen_flags: <defaults>
</compile_context>

<pallas_src>
import functools

import jax
import jax.numpy as jnp
from jax import lax
from jax.experimental import pallas as pl
from jax.experimental.pallas import tpu as pltpu
from jax.experimental.pallas import tpu_sc as plsc

N_TOKENS = 16384
K_WORDS = 8192
EMB = 256
TB = 1024
TILE = 512
N_TILES = K_WORDS // TILE
_BOUNDS = (0, 2736, 5472, 8192)
CHUNKS = tuple(
    (_BOUNDS[c], _BOUNDS[c + 1], _BOUNDS[c] // TILE,
     -(-_BOUNDS[c + 1] // TILE))
    for c in range(3))
_SHARED_TILES = tuple(b // TILE for b in _BOUNDS[1:3] if b % TILE != 0)
BIG_I32 = 2 ** 30


def _dist_argmin_kernel(z_ref, znorm_ref, cb_ref, cnorm_ref, idx_ref, loss_ref):
    i = pl.program_id(0)
    zb = z_ref[...].astype(jnp.bfloat16)
    zb_lo, zb_hi = zb[:, :128], zb[:, 128:]
    znorm = znorm_ref[...]

    def tile_d(t):
        cbt = cb_ref[pl.ds(t * TILE, TILE), :]
        mm = (lax.dot_general(zb_lo, cbt[:, :128], (((1,), (1,)), ((), ())),
                              preferred_element_type=jnp.float32)
              + lax.dot_general(zb_hi, cbt[:, 128:], (((1,), (1,)), ((), ())),
                                preferred_element_type=jnp.float32))
        cn = cnorm_ref[t]
        return (znorm + cn) - 2.0 * mm

    gkf = lax.broadcasted_iota(jnp.int32, (TB, TILE), 1).astype(jnp.float32)
    v = jnp.full((TB,), jnp.inf, dtype=jnp.float32)
    bidx = jnp.zeros((TB,), dtype=jnp.int32)
    cache = {}
    for (c0, c1, ta, tz) in CHUNKS:
        m_c = jnp.full((TB,), jnp.inf, dtype=jnp.float32)
        i_c = jnp.zeros((TB,), dtype=jnp.float32)
        for t in range(ta, tz):
            if t in cache:
                dt = cache.pop(t)
            else:
                dt = tile_d(t)
                if t in _SHARED_TILES:
                    cache[t] = dt
            if t * TILE >= c0 and (t + 1) * TILE <= c1:
                dm = dt
            else:
                gk = lax.broadcasted_iota(jnp.int32, (TB, TILE), 1) + t * TILE
                inside = (gk >= c0) & (gk < c1)
                dm = jnp.where(inside, dt, jnp.inf)
            mt = jnp.min(dm, axis=1)
            it = jnp.min(jnp.where(dm == mt[:, None], gkf, jnp.float32(1e9)),
                         axis=1) + jnp.float32(t * TILE)
            take = mt < m_c
            i_c = jnp.where(take, it, i_c)
            m_c = jnp.where(take, mt, m_c)
        i_ci = i_c.astype(jnp.int32)
        take = (m_c < v) | ((m_c == v) & (i_ci < bidx))
        bidx = jnp.where(take, i_ci, bidx)
        v = jnp.where(take, m_c, v)
        v = v.astype(jnp.bfloat16).astype(jnp.float32)

    idx_ref[...] = bidx
    s = jnp.reshape(jnp.sum(v), (1, 1))

    @pl.when(i == 0)
    def _():
        loss_ref[...] = s

    @pl.when(i > 0)
    def _():
        loss_ref[...] = loss_ref[...] + s

    @pl.when(i == (N_TOKENS // TB) - 1)
    def _():
        loss_ref[...] = loss_ref[...] * jnp.float32(1.33 / (N_TOKENS * EMB))


def _dist_argmin(z_flat, znorm, cbb, cnorm3d, interpret=False):
    return pl.pallas_call(
        _dist_argmin_kernel,
        grid=(N_TOKENS // TB,),
        in_specs=[
            pl.BlockSpec((TB, EMB), lambda i: (i, 0)),
            pl.BlockSpec((TB, 1), lambda i: (i, 0)),
            pl.BlockSpec((K_WORDS, EMB), lambda i: (0, 0)),
            pl.BlockSpec((N_TILES, 1, TILE), lambda i: (0, 0, 0)),
        ],
        out_specs=[
            pl.BlockSpec((TB,), lambda i: (i,)),
            pl.BlockSpec((1, 1), lambda i: (0, 0)),
        ],
        out_shape=[
            jax.ShapeDtypeStruct((N_TOKENS,), jnp.int32),
            jax.ShapeDtypeStruct((1, 1), jnp.float32),
        ],
        interpret=interpret,
    )(z_flat, znorm, cbb, cnorm3d)


_GB = 128
_NW = 32


def _sc_gather(codebook, idx):
    mesh = plsc.VectorSubcoreMesh(core_axis_name="c", subcore_axis_name="s")
    b_per_w = N_TOKENS // _NW

    @functools.partial(
        pl.kernel, mesh=mesh,
        out_type=jax.ShapeDtypeStruct((N_TOKENS, EMB), jnp.float32),
        scratch_types=[
            pltpu.VMEM((_GB,), jnp.int32),
            pltpu.VMEM((_GB, EMB), jnp.float32),
            pltpu.SemaphoreType.DMA,
        ],
    )
    def k(table_hbm, idx_hbm, out_hbm, idx_v, rows_v, sem):
        wid = lax.axis_index("s") * 2 + lax.axis_index("c")
        base = wid * b_per_w
        for chn in range(b_per_w // _GB):
            off = base + chn * _GB
            pltpu.sync_copy(idx_hbm.at[pl.ds(off, _GB)], idx_v)
            pltpu.async_copy(table_hbm.at[idx_v], rows_v, sem).wait()
            pltpu.sync_copy(rows_v, out_hbm.at[pl.ds(off, _GB)])

    return k(codebook, idx)


def kernel(z, codebook):
    b, c, h, w = z.shape
    zp = jnp.transpose(z, (0, 2, 3, 1))
    z_flat = zp.reshape(-1, c)
    znorm = jnp.sum(z_flat ** 2, axis=1, keepdims=True)
    cnorm = jnp.sum(codebook ** 2, axis=1)
    idx, loss2d = _dist_argmin(z_flat, znorm, codebook.astype(jnp.bfloat16),
                               cnorm.reshape(N_TILES, 1, TILE))
    zq_flat = _sc_gather(codebook, idx)
    zq = zq_flat.reshape(zp.shape)
    zq_st = zp + lax.stop_gradient(zq - zp)
    out = jnp.transpose(zq_st, (0, 3, 1, 2))
    return out, loss2d[0, 0], idx

# --- scband reference (transcript-rebuilt; emitter-appended) ---
"""Pipeline reference for scband-vqmodel-26912265077271 (READ-ONLY COPY).

The authoritative reference and input builder live on the scoring server;
editing this copy changes nothing except your own understanding.
"""

import jax, jax.numpy as jnp
import numpy as np


def setup_inputs(seed: int = 0) -> dict:
    key = jax.random.key(seed)
    k1, k2 = jax.random.split(key)
    # latent feature map entering quantize(): [B, C=embed_dim, H, W]
    z = jax.random.normal(k1, (16, 256, 32, 32), dtype=jnp.float32)
    # tok_embeddings.weight, init uniform(-1/K, 1/K) as in tuning_codebook=-1
    n_vision_words = 8192
    codebook = jax.random.uniform(
        k2, (n_vision_words, 256), dtype=jnp.float32,
        minval=-1.0 / n_vision_words, maxval=1.0 / n_vision_words)
    return {"z": z, "codebook": codebook}


def reference(z, codebook):
    # VQModel.quantize with quantize_type != 'ema', use_cblinear == 0, remap=None
    b, c, h, w = z.shape
    # rearrange 'b c h w -> b h w c'
    zp = jnp.transpose(z, (0, 2, 3, 1))
    z_flattened = zp.reshape(-1, c)  # [B*H*W, e_dim]
    # squared L2 distances to every codeword
    d = (jnp.sum(z_flattened ** 2, axis=1, keepdims=True)
         + jnp.sum(codebook ** 2, axis=1)
         - 2.0 * (z_flattened @ codebook.T))  # [N, K]
    min_encoding_indices = jnp.argmin(d, axis=1)  # [N]
    # F.embedding(indices, codebook).view(z.shape)
    z_q = jnp.take(codebook, min_encoding_indices, axis=0).reshape(zp.shape)
    # VQ loss: codebook/commitment terms
    loss = (jnp.mean((jax.lax.stop_gradient(z_q) - zp) ** 2)
            + 0.33 * jnp.mean((z_q - jax.lax.stop_gradient(zp)) ** 2))
    # straight-through estimator
    z_q = zp + jax.lax.stop_gradient(z_q - zp)
    # rearrange 'b h w c -> b c h w'
    z_q = jnp.transpose(z_q, (0, 3, 1, 2))
    return z_q, loss, min_encoding_indices

if __name__ == "__main__":
    import jax
    _d = setup_inputs()
    print(jax.jit(kernel)(*tuple(_d.values())))

</pallas_src>

<mosaic_0001>
#map = affine_map<(d0, d1) -> (0, 0)>
#map1 = affine_map<(d0, d1) -> (0)>
module attributes {stable_mosaic.version = 14 : i64} {
  func.func @k(%arg0: i32, %arg1: i32, %arg2: memref<8192x256xf32, #tpu.memory_space<hbm>>, %arg3: memref<16384xi32, #tpu.memory_space<hbm>>, %arg4: memref<16384x256xf32, #tpu.memory_space<hbm>>, %arg5: memref<128xi32, #tpu.memory_space<vmem>>, %arg6: memref<128x256xf32, #tpu.memory_space<vmem>>, %arg7: memref<!tpu.dma_semaphore, #tpu.memory_space<semaphore_mem>>) attributes {dimension_semantics = [#tpu.dimension_semantics<core_parallel>, #tpu.dimension_semantics<subcore_parallel>], iteration_bounds = array<i64: 2, 16>, scalar_prefetch = 0 : i64, scratch_operands = 3 : i64, tpu.core_type = #tpu.core_type<sc_vector_subcore>, window_params = [{transform_indices = #map}, {transform_indices = #map1}, {transform_indices = #map}]} {
    %mul3A = arith.constant 2 : i32
    %mul3A_0 = arith.muli %arg1, %mul3A : i32
    %add3A = arith.addi %mul3A_0, %arg0 : i32
    %mul3A_1 = arith.constant 512 : i32
    %mul3A_2 = arith.muli %add3A, %mul3A_1 : i32
    %add3A_3 = arith.constant 0 : i32
    %add3A_4 = arith.addi %mul3A_2, %add3A_3 : i32
    "tpu.region"() ({
      %run_scoped3A = tpu.sem_alloc : memref<!tpu.dma_semaphore, #tpu.memory_space<semaphore_mem>>
      %dma_start3A_33 = tpu.memref_slice %arg3[%add3A_4] : memref<16384xi32, #tpu.memory_space<hbm>> -> memref<128xi32, #tpu.memory_space<hbm>>
      %dma_start3A_34 = tpu.memref_slice %arg3[%add3A_4] : memref<16384xi32, #tpu.memory_space<hbm>> -> memref<128xi32, #tpu.memory_space<hbm>>
      tpu.enqueue_dma source(%dma_start3A_34 : memref<128xi32, #tpu.memory_space<hbm>>) target(%arg5 : memref<128xi32, #tpu.memory_space<vmem>>) target_semaphore(%run_scoped3A : memref<!tpu.dma_semaphore, #tpu.memory_space<semaphore_mem>>)
      %dma_wait3A_35 = tpu.memref_slice %arg3[%add3A_4] : memref<16384xi32, #tpu.memory_space<hbm>> -> memref<128xi32, #tpu.memory_space<hbm>>
      %dma_wait3A_36 = tpu.memref_slice %arg3[%add3A_4] : memref<16384xi32, #tpu.memory_space<hbm>> -> memref<128xi32, #tpu.memory_space<hbm>>
      tpu.wait_dma2 semaphore(%run_scoped3A : memref<!tpu.dma_semaphore, #tpu.memory_space<semaphore_mem>>) src(%dma_wait3A_36 : memref<128xi32, #tpu.memory_space<hbm>>) dst(%arg5 : memref<128xi32, #tpu.memory_space<vmem>>)
      tpu.yield
    }) : () -> ()
    %dma_start3A = arith.constant 0 : i32
    %dma_start3A_5 = arith.constant 0 : i32
    %dma_start3A_6 = tpu.memref_slice %arg2[%dma_start3A, %dma_start3A_5] : memref<8192x256xf32, #tpu.memory_space<hbm>> -> memref<8192x256xf32, #tpu.memory_space<hbm>>
    tpu.enqueue_indirect_dma source(%dma_start3A_6 : memref<8192x256xf32, #tpu.memory_space<hbm>>) target(%arg6 : memref<128x256xf32, #tpu.memory_space<vmem>>) offsets(%arg5 : memref<128xi32, #tpu.memory_space<vmem>>) semaphore(%arg7 : memref<!tpu.dma_semaphore, #tpu.memory_space<semaphore_mem>>)
    %dma_wait3A = arith.constant 0 : i32
    %dma_wait3A_7 = arith.constant 0 : i32
    %dma_wait3A_8 = tpu.memref_slice %arg2[%dma_wait3A, %dma_wait3A_7] : memref<8192x256xf32, #tpu.memory_space<hbm>> -> memref<8192x256xf32, #tpu.memory_space<hbm>>
    tpu.wait_indirect_dma semaphore(%arg7 : memref<!tpu.dma_semaphore, #tpu.memory_space<semaphore_mem>>) src(%dma_wait3A_8 : memref<8192x256xf32, #tpu.memory_space<hbm>>) dst(%arg6 : memref<128x256xf32, #tpu.memory_space<vmem>>)
    "tpu.region"() ({
      %run_scoped3A = tpu.sem_alloc : memref<!tpu.dma_semaphore, #tpu.memory_space<semaphore_mem>>
      %dma_start3A_33 = arith.constant 0 : i32
      %dma_start3A_34 = tpu.memref_slice %arg4[%add3A_4, %dma_start3A_33] : memref<16384x256xf32, #tpu.memory_space<hbm>> -> memref<128x256xf32, #tpu.memory_space<hbm>>
      %dma_start3A_35 = arith.constant 0 : i32
      %dma_start3A_36 = tpu.memref_slice %arg4[%add3A_4, %dma_start3A_35] : memref<16384x256xf32, #tpu.memory_space<hbm>> -> memref<128x256xf32, #tpu.memory_space<hbm>>
      tpu.enqueue_dma source(%arg6 : memref<128x256xf32, #tpu.memory_space<vmem>>) target(%dma_start3A_36 : memref<128x256xf32, #tpu.memory_space<hbm>>) target_semaphore(%run_scoped3A : memref<!tpu.dma_semaphore, #tpu.memory_space<semaphore_mem>>)
      %dma_wait3A_37 = arith.constant 0 : i32
      %dma_wait3A_38 = tpu.memref_slice %arg4[%add3A_4, %dma_wait3A_37] : memref<16384x256xf32, #tpu.memory_space<hbm>> -> memref<128x256xf32, #tpu.memory_space<hbm>>
      %dma_wait3A_39 = arith.constant 0 : i32
      %dma_wait3A_40 = tpu.memref_slice %arg4[%add3A_4, %dma_wait3A_39] : memref<16384x256xf32, #tpu.memory_space<hbm>> -> memref<128x256xf32, #tpu.memory_space<hbm>>
      tpu.wait_dma2 semaphore(%run_scoped3A : memref<!tpu.dma_semaphore, #tpu.memory_space<semaphore_mem>>) src(%arg6 : memref<128x256xf32, #tpu.memory_space<vmem>>) dst(%dma_wait3A_40 : memref<128x256xf32, #tpu.memory_space<hbm>>)
      tpu.yield
    }) : () -> ()
    %add3A_9 = arith.constant 128 : i32
    %add3A_10 = arith.addi %mul3A_2, %add3A_9 : i32
    "tpu.region"() ({
      %run_scoped3A = tpu.sem_alloc : memref<!tpu.dma_semaphore, #tpu.memory_space<semaphore_mem>>
      %dma_start3A_33 = tpu.memref_slice %arg3[%add3A_10] : memref<16384xi32, #tpu.memory_space<hbm>> -> memref<128xi32, #tpu.memory_space<hbm>>
      %dma_start3A_34 = tpu.memref_slice %arg3[%add3A_10] : memref<16384xi32, #tpu.memory_space<hbm>> -> memref<128xi32, #tpu.memory_space<hbm>>
      tpu.enqueue_dma source(%dma_start3A_34 : memref<128xi32, #tpu.memory_space<hbm>>) target(%arg5 : memref<128xi32, #tpu.memory_space<vmem>>) target_semaphore(%run_scoped3A : memref<!tpu.dma_semaphore, #tpu.memory_space<semaphore_mem>>)
      %dma_wait3A_35 = tpu.memref_slice %arg3[%add3A_10] : memref<16384xi32, #tpu.memory_space<hbm>> -> memref<128xi32, #tpu.memory_space<hbm>>
      %dma_wait3A_36 = tpu.memref_slice %arg3[%add3A_10] : memref<16384xi32, #tpu.memory_space<hbm>> -> memref<128xi32, #tpu.memory_space<hbm>>
      tpu.wait_dma2 semaphore(%run_scoped3A : memref<!tpu.dma_semaphore, #tpu.memory_space<semaphore_mem>>) src(%dma_wait3A_36 : memref<128xi32, #tpu.memory_space<hbm>>) dst(%arg5 : memref<128xi32, #tpu.memory_space<vmem>>)
      tpu.yield
    }) : () -> ()
    %dma_start3A_11 = arith.constant 0 : i32
    %dma_start3A_12 = arith.constant 0 : i32
    %dma_start3A_13 = tpu.memref_slice %arg2[%dma_start3A_11, %dma_start3A_12] : memref<8192x256xf32, #tpu.memory_space<hbm>> -> memref<8192x256xf32, #tpu.memory_space<hbm>>
    tpu.enqueue_indirect_dma source(%dma_start3A_13 : memref<8192x256xf32, #tpu.memory_space<hbm>>) target(%arg6 : memref<128x256xf32, #tpu.memory_space<vmem>>) offsets(%arg5 : memref<128xi32, #tpu.memory_space<vmem>>) semaphore(%arg7 : memref<!tpu.dma_semaphore, #tpu.memory_space<semaphore_mem>>)
    %dma_wait3A_14 = arith.constant 0 : i32
    %dma_wait3A_15 = arith.constant 0 : i32
    %dma_wait3A_16 = tpu.memref_slice %arg2[%dma_wait3A_14, %dma_wait3A_15] : memref<8192x256xf32, #tpu.memory_space<hbm>> -> memref<8192x256xf32, #tpu.memory_space<hbm>>
    tpu.wait_indirect_dma semaphore(%arg7 : memref<!tpu.dma_semaphore, #tpu.memory_space<semaphore_mem>>) src(%dma_wait3A_16 : memref<8192x256xf32, #tpu.memory_space<hbm>>) dst(%arg6 : memref<128x256xf32, #tpu.memory_space<vmem>>)
    "tpu.region"() ({
      %run_scoped3A = tpu.sem_alloc : memref<!tpu.dma_semaphore, #tpu.memory_space<semaphore_mem>>
      %dma_start3A_33 = arith.constant 0 : i32
      %dma_start3A_34 = tpu.memref_slice %arg4[%add3A_10, %dma_start3A_33] : memref<16384x256xf32, #tpu.memory_space<hbm>> -> memref<128x256xf32, #tpu.memory_space<hbm>>
      %dma_start3A_35 = arith.constant 0 : i32
      %dma_start3A_36 = tpu.memref_slice %arg4[%add3A_10, %dma_start3A_35] : memref<16384x256xf32, #tpu.memory_space<hbm>> -> memref<128x256xf32, #tpu.memory_space<hbm>>
      tpu.enqueue_dma source(%arg6 : memref<128x256xf32, #tpu.memory_space<vmem>>) target(%dma_start3A_36 : memref<128x256xf32, #tpu.memory_space<hbm>>) target_semaphore(%run_scoped3A : memref<!tpu.dma_semaphore, #tpu.memory_space<semaphore_mem>>)
      %dma_wait3A_37 = arith.constant 0 : i32
      %dma_wait3A_38 = tpu.memref_slice %arg4[%add3A_10, %dma_wait3A_37] : memref<16384x256xf32, #tpu.memory_space<hbm>> -> memref<128x256xf32, #tpu.memory_space<hbm>>
      %dma_wait3A_39 = arith.constant 0 : i32
      %dma_wait3A_40 = tpu.memref_slice %arg4[%add3A_10, %dma_wait3A_39] : memref<16384x256xf32, #tpu.memory_space<hbm>> -> memref<128x256xf32, #tpu.memory_space<hbm>>
      tpu.wait_dma2 semaphore(%run_scoped3A : memref<!tpu.dma_semaphore, #tpu.memory_space<semaphore_mem>>) src(%arg6 : memref<128x256xf32, #tpu.memory_space<vmem>>) dst(%dma_wait3A_40 : memref<128x256xf32, #tpu.memory_space<hbm>>)
      tpu.yield
    }) : () -> ()
    %add3A_17 = arith.constant 256 : i32
    %add3A_18 = arith.addi %mul3A_2, %add3A_17 : i32
    "tpu.region"() ({
      %run_scoped3A = tpu.sem_alloc : memref<!tpu.dma_semaphore, #tpu.memory_space<semaphore_mem>>
      %dma_start3A_33 = tpu.memref_slice %arg3[%add3A_18] : memref<16384xi32, #tpu.memory_space<hbm>> -> memref<128xi32, #tpu.memory_space<hbm>>
      %dma_start3A_34 = tpu.memref_slice %arg3[%add3A_18] : memref<16384xi32, #tpu.memory_space<hbm>> -> memref<128xi32, #tpu.memory_space<hbm>>
      tpu.enqueue_dma source(%dma_start3A_34 : memref<128xi32, #tpu.memory_space<hbm>>) target(%arg5 : memref<128xi32, #tpu.memory_space<vmem>>) target_semaphore(%run_scoped3A : memref<!tpu.dma_semaphore, #tpu.memory_space<semaphore_mem>>)
      %dma_wait3A_35 = tpu.memref_slice %arg3[%add3A_18] : memref<16384xi32, #tpu.memory_space<hbm>> -> memref<128xi32, #tpu.memory_space<hbm>>
      %dma_wait3A_36 = tpu.memref_slice %arg3[%add3A_18] : memref<16384xi32, #tpu.memory_space<hbm>> -> memref<128xi32, #tpu.memory_space<hbm>>
      tpu.wait_dma2 semaphore(%run_scoped3A : memref<!tpu.dma_semaphore, #tpu.memory_space<semaphore_mem>>) src(%dma_wait3A_36 : memref<128xi32, #tpu.memory_space<hbm>>) dst(%arg5 : memref<128xi32, #tpu.memory_space<vmem>>)
      tpu.yield
    }) : () -> ()
    %dma_start3A_19 = arith.constant 0 : i32
    %dma_start3A_20 = arith.constant 0 : i32
    %dma_start3A_21 = tpu.memref_slice %arg2[%dma_start3A_19, %dma_start3A_20] : memref<8192x256xf32, #tpu.memory_space<hbm>> -> memref<8192x256xf32, #tpu.memory_space<hbm>>
    tpu.enqueue_indirect_dma source(%dma_start3A_21 : memref<8192x256xf32, #tpu.memory_space<hbm>>) target(%arg6 : memref<128x256xf32, #tpu.memory_space<vmem>>) offsets(%arg5 : memref<128xi32, #tpu.memory_space<vmem>>) semaphore(%arg7 : memref<!tpu.dma_semaphore, #tpu.memory_space<semaphore_mem>>)
    %dma_wait3A_22 = arith.constant 0 : i32
    %dma_wait3A_23 = arith.constant 0 : i32
    %dma_wait3A_24 = tpu.memref_slice %arg2[%dma_wait3A_22, %dma_wait3A_23] : memref<8192x256xf32, #tpu.memory_space<hbm>> -> memref<8192x256xf32, #tpu.memory_space<hbm>>
    tpu.wait_indirect_dma semaphore(%arg7 : memref<!tpu.dma_semaphore, #tpu.memory_space<semaphore_mem>>) src(%dma_wait3A_24 : memref<8192x256xf32, #tpu.memory_space<hbm>>) dst(%arg6 : memref<128x256xf32, #tpu.memory_space<vmem>>)
    "tpu.region"() ({
      %run_scoped3A = tpu.sem_alloc : memref<!tpu.dma_semaphore, #tpu.memory_space<semaphore_mem>>
      %dma_start3A_33 = arith.constant 0 : i32
      %dma_start3A_34 = tpu.memref_slice %arg4[%add3A_18, %dma_start3A_33] : memref<16384x256xf32, #tpu.memory_space<hbm>> -> memref<128x256xf32, #tpu.memory_space<hbm>>
      %dma_start3A_35 = arith.constant 0 : i32
      %dma_start3A_36 = tpu.memref_slice %arg4[%add3A_18, %dma_start3A_35] : memref<16384x256xf32, #tpu.memory_space<hbm>> -> memref<128x256xf32, #tpu.memory_space<hbm>>
      tpu.enqueue_dma source(%arg6 : memref<128x256xf32, #tpu.memory_space<vmem>>) target(%dma_start3A_36 : memref<128x256xf32, #tpu.memory_space<hbm>>) target_semaphore(%run_scoped3A : memref<!tpu.dma_semaphore, #tpu.memory_space<semaphore_mem>>)
      %dma_wait3A_37 = arith.constant 0 : i32
      %dma_wait3A_38 = tpu.memref_slice %arg4[%add3A_18, %dma_wait3A_37] : memref<16384x256xf32, #tpu.memory_space<hbm>> -> memref<128x256xf32, #tpu.memory_space<hbm>>
      %dma_wait3A_39 = arith.constant 0 : i32
      %dma_wait3A_40 = tpu.memref_slice %arg4[%add3A_18, %dma_wait3A_39] : memref<16384x256xf32, #tpu.memory_space<hbm>> -> memref<128x256xf32, #tpu.memory_space<hbm>>
      tpu.wait_dma2 semaphore(%run_scoped3A : memref<!tpu.dma_semaphore, #tpu.memory_space<semaphore_mem>>) src(%arg6 : memref<128x256xf32, #tpu.memory_space<vmem>>) dst(%dma_wait3A_40 : memref<128x256xf32, #tpu.memory_space<hbm>>)
      tpu.yield
    }) : () -> ()
    %add3A_25 = arith.constant 384 : i32
    %add3A_26 = arith.addi %mul3A_2, %add3A_25 : i32
    "tpu.region"() ({
      %run_scoped3A = tpu.sem_alloc : memref<!tpu.dma_semaphore, #tpu.memory_space<semaphore_mem>>
      %dma_start3A_33 = tpu.memref_slice %arg3[%add3A_26] : memref<16384xi32, #tpu.memory_space<hbm>> -> memref<128xi32, #tpu.memory_space<hbm>>
      %dma_start3A_34 = tpu.memref_slice %arg3[%add3A_26] : memref<16384xi32, #tpu.memory_space<hbm>> -> memref<128xi32, #tpu.memory_space<hbm>>
      tpu.enqueue_dma source(%dma_start3A_34 : memref<128xi32, #tpu.memory_space<hbm>>) target(%arg5 : memref<128xi32, #tpu.memory_space<vmem>>) target_semaphore(%run_scoped3A : memref<!tpu.dma_semaphore, #tpu.memory_space<semaphore_mem>>)
      %dma_wait3A_35 = tpu.memref_slice %arg3[%add3A_26] : memref<16384xi32, #tpu.memory_space<hbm>> -> memref<128xi32, #tpu.memory_space<hbm>>
      %dma_wait3A_36 = tpu.memref_slice %arg3[%add3A_26] : memref<16384xi32, #tpu.memory_space<hbm>> -> memref<128xi32, #tpu.memory_space<hbm>>
      tpu.wait_dma2 semaphore(%run_scoped3A : memref<!tpu.dma_semaphore, #tpu.memory_space<semaphore_mem>>) src(%dma_wait3A_36 : memref<128xi32, #tpu.memory_space<hbm>>) dst(%arg5 : memref<128xi32, #tpu.memory_space<vmem>>)
      tpu.yield
    }) : () -> ()
    %dma_start3A_27 = arith.constant 0 : i32
    %dma_start3A_28 = arith.constant 0 : i32
    %dma_start3A_29 = tpu.memref_slice %arg2[%dma_start3A_27, %dma_start3A_28] : memref<8192x256xf32, #tpu.memory_space<hbm>> -> memref<8192x256xf32, #tpu.memory_space<hbm>>
    tpu.enqueue_indirect_dma source(%dma_start3A_29 : memref<8192x256xf32, #tpu.memory_space<hbm>>) target(%arg6 : memref<128x256xf32, #tpu.memory_space<vmem>>) offsets(%arg5 : memref<128xi32, #tpu.memory_space<vmem>>) semaphore(%arg7 : memref<!tpu.dma_semaphore, #tpu.memory_space<semaphore_mem>>)
    %dma_wait3A_30 = arith.constant 0 : i32
    %dma_wait3A_31 = arith.constant 0 : i32
    %dma_wait3A_32 = tpu.memref_slice %arg2[%dma_wait3A_30, %dma_wait3A_31] : memref<8192x256xf32, #tpu.memory_space<hbm>> -> memref<8192x256xf32, #tpu.memory_space<hbm>>
    tpu.wait_indirect_dma semaphore(%arg7 : memref<!tpu.dma_semaphore, #tpu.memory_space<semaphore_mem>>) src(%dma_wait3A_32 : memref<8192x256xf32, #tpu.memory_space<hbm>>) dst(%arg6 : memref<128x256xf32, #tpu.memory_space<vmem>>)
    "tpu.region"() ({
      %run_scoped3A = tpu.sem_alloc : memref<!tpu.dma_semaphore, #tpu.memory_space<semaphore_mem>>
      %dma_start3A_33 = arith.constant 0 : i32
      %dma_start3A_34 = tpu.memref_slice %arg4[%add3A_26, %dma_start3A_33] : memref<16384x256xf32, #tpu.memory_space<hbm>> -> memref<128x256xf32, #tpu.memory_space<hbm>>
      %dma_start3A_35 = arith.constant 0 : i32
      %dma_start3A_36 = tpu.memref_slice %arg4[%add3A_26, %dma_start3A_35] : memref<16384x256xf32, #tpu.memory_space<hbm>> -> memref<128x256xf32, #tpu.memory_space<hbm>>
      tpu.enqueue_dma source(%arg6 : memref<128x256xf32, #tpu.memory_space<vmem>>) target(%dma_start3A_36 : memref<128x256xf32, #tpu.memory_space<hbm>>) target_semaphore(%run_scoped3A : memref<!tpu.dma_semaphore, #tpu.memory_space<semaphore_mem>>)
      %dma_wait3A_37 = arith.constant 0 : i32
      %dma_wait3A_38 = tpu.memref_slice %arg4[%add3A_26, %dma_wait3A_37] : memref<16384x256xf32, #tpu.memory_space<hbm>> -> memref<128x256xf32, #tpu.memory_space<hbm>>
      %dma_wait3A_39 = arith.constant 0 : i32
      %dma_wait3A_40 = tpu.memref_slice %arg4[%add3A_26, %dma_wait3A_39] : memref<16384x256xf32, #tpu.memory_space<hbm>> -> memref<128x256xf32, #tpu.memory_space<hbm>>
      tpu.wait_dma2 semaphore(%run_scoped3A : memref<!tpu.dma_semaphore, #tpu.memory_space<semaphore_mem>>) src(%arg6 : memref<128x256xf32, #tpu.memory_space<vmem>>) dst(%dma_wait3A_40 : memref<128x256xf32, #tpu.memory_space<hbm>>)
      tpu.yield
    }) : () -> ()
    return
  }
}

module attributes {stable_mosaic.version = 14 : i64} {
  func.func @_dist_argmin_kernel(%arg0: i32, %arg1: memref<1024x256xf32, #tpu.memory_space<vmem>>, %arg2: memref<1024x1xf32, #tpu.memory_space<vmem>>, %arg3: memref<8192x256xbf16, #tpu.memory_space<vmem>>, %arg4: memref<16x1x512xf32, #tpu.memory_space<vmem>>, %arg5: memref<1024xi32, #tpu.memory_space<vmem>>, %arg6: memref<1x1xf32, #tpu.memory_space<vmem>>) attributes {dimension_semantics = [#tpu.dimension_semantics<arbitrary>], iteration_bounds = array<i64: 16>, scalar_prefetch = 0 : i64, scratch_operands = 0 : i64, tpu.core_type = #tpu.core_type<tc>, window_params = [{transform_indices = @transform_0, window_bounds = array<i64: 1024, 256>}, {transform_indices = @transform_1, window_bounds = array<i64: 1024, 1>}, {pipeline_mode = #tpu.pipeline_mode<synchronous>, transform_indices = @transform_2, window_bounds = array<i64: 8192, 256>}, {pipeline_mode = #tpu.pipeline_mode<synchronous>, transform_indices = @transform_3, window_bounds = array<i64: 16, 1, 512>}, {transform_indices = @transform_4, window_bounds = array<i64: 1024>}, {pipeline_mode = #tpu.pipeline_mode<synchronous>, transform_indices = @transform_5, window_bounds = array<i64: 1, 1>}]} {
    %get3A = arith.constant 0 : index
    %get3A_0 = arith.constant 0 : index
    %get3A_1 = vector.load %arg1[%get3A, %get3A_0] : memref<1024x256xf32, #tpu.memory_space<vmem>>, vector<1024x256xf32>
    %convert_element_type3A = arith.truncf %get3A_1 : vector<1024x256xf32> to vector<1024x256xbf16>
    %slice3A = vector.extract_strided_slice %convert_element_type3A {offsets = [0, 0], sizes = [1024, 128], strides = [1, 1]} : vector<1024x256xbf16> to vector<1024x128xbf16>
    %slice3A_2 = vector.extract_strided_slice %convert_element_type3A {offsets = [0, 128], sizes = [1024, 128], strides = [1, 1]} : vector<1024x256xbf16> to vector<1024x128xbf16>
    %get3A_3 = arith.constant 0 : index
    %get3A_4 = arith.constant 0 : index
    %get3A_5 = vector.load %arg2[%get3A_3, %get3A_4] : memref<1024x1xf32, #tpu.memory_space<vmem>>, vector<1024x1xf32>
    %iota3A = tpu.iota {dimensions = array<i32: 1>} : vector<1024x512xi32>
    %convert_element_type3A_6 = arith.sitofp %iota3A : vector<1024x512xi32> to vector<1024x512xf32>
    %broadcast_in_dim3A = arith.constant 0x7F800000 : f32
    %broadcast_in_dim3A_7 = vector.broadcast %broadcast_in_dim3A : f32 to vector<1024xf32>
    %broadcast_in_dim3A_8 = arith.constant 0 : i32
    %broadcast_in_dim3A_9 = vector.broadcast %broadcast_in_dim3A_8 : i32 to vector<1024xi32>
    %broadcast_in_dim3A_10 = arith.constant 0x7F800000 : f32
    %broadcast_in_dim3A_11 = vector.broadcast %broadcast_in_dim3A_10 : f32 to vector<1024xf32>
    %broadcast_in_dim3A_12 = arith.constant 0.000000e+00 : f32
    %broadcast_in_dim3A_13 = vector.broadcast %broadcast_in_dim3A_12 : f32 to vector<1024xf32>
    %get3A_14 = arith.constant 0 : index
    %get3A_15 = arith.constant 0 : index
    %get3A_16 = vector.load %arg3[%get3A_14, %get3A_15] : memref<8192x256xbf16, #tpu.memory_space<vmem>>, vector<512x256xbf16>
    %slice3A_17 = vector.extract_strided_slice %get3A_16 {offsets = [0, 0], sizes = [512, 128], strides = [1, 1]} : vector<512x256xbf16> to vector<512x128xbf16>
    %dot_general3A = arith.constant dense<0.000000e+00> : vector<1024x512xf32>
    %dot_general3A_18 = tpu.matmul %slice3A, %slice3A_17, %dot_general3A {dimension_numbers = #tpu.dot_dimension_numbers<[1], [1], [0], [0], [0, 0, 1, 0], [], []>, transpose_lhs_hint = false} : vector<1024x128xbf16>, vector<512x128xbf16>, vector<1024x512xf32> -> vector<1024x512xf32>
    %slice3A_19 = vector.extract_strided_slice %get3A_16 {offsets = [0, 128], sizes = [512, 128], strides = [1, 1]} : vector<512x256xbf16> to vector<512x128xbf16>
    %dot_general3A_20 = arith.constant dense<0.000000e+00> : vector<1024x512xf32>
    %dot_general3A_21 = tpu.matmul %slice3A_2, %slice3A_19, %dot_general3A_20 {dimension_numbers = #tpu.dot_dimension_numbers<[1], [1], [0], [0], [0, 0, 1, 0], [], []>, transpose_lhs_hint = false} : vector<1024x128xbf16>, vector<512x128xbf16>, vector<1024x512xf32> -> vector<1024x512xf32>
    %add3A = arith.addf %dot_general3A_18, %dot_general3A_21 : vector<1024x512xf32>
    %get3A_22 = arith.constant 0 : index
    %get3A_23 = arith.constant 0 : index
    %get3A_24 = arith.constant 0 : index
    %get3A_25 = vector.load %arg4[%get3A_22, %get3A_23, %get3A_24] : memref<16x1x512xf32, #tpu.memory_space<vmem>>, vector<1x1x512xf32>
    %get3A_26 = vector.shape_cast %get3A_25 : vector<1x1x512xf32> to vector<1x512xf32>
    %add3A_27 = vector.broadcast %get3A_5 : vector<1024x1xf32> to vector<1024x512xf32>
    %add3A_28 = vector.broadcast %get3A_26 : vector<1x512xf32> to vector<1024x512xf32>
    %add3A_29 = arith.addf %add3A_27, %add3A_28 : vector<1024x512xf32>
    %mul3A = arith.constant 2.000000e+00 : f32
    %mul3A_30 = vector.broadcast %mul3A : f32 to vector<1024x512xf32>
    %mul3A_31 = arith.mulf %mul3A_30, %add3A : vector<1024x512xf32>
    %sub3A = arith.subf %add3A_29, %mul3A_31 : vector<1024x512xf32>
    %reduce_min3A = arith.constant dense<0x7F800000> : vector<1024xf32>
    %reduce_min3A_32 = vector.multi_reduction <minimumf>, %sub3A, %reduce_min3A [1] : vector<1024x512xf32> to vector<1024xf32>
    %broadcast_in_dim3A_33 = vector.shape_cast %reduce_min3A_32 : vector<1024xf32> to vector<1024x1xf32>
    %eq3A = vector.broadcast %broadcast_in_dim3A_33 : vector<1024x1xf32> to vector<1024x512xf32>
    %eq3A_34 = arith.cmpf oeq, %sub3A, %eq3A : vector<1024x512xf32>
    %jit3A = arith.constant 1.000000e+09 : f32
    %broadcast_in_dim3A_35 = vector.broadcast %jit3A : f32 to vector<1024x512xf32>
    %select_n3A = arith.select %eq3A_34, %convert_element_type3A_6, %broadcast_in_dim3A_35 : vector<1024x512xi1>, vector<1024x512xf32>
    %reduce_min3A_36 = arith.constant dense<0x7F800000> : vector<1024xf32>
    %reduce_min3A_37 = vector.multi_reduction <minimumf>, %select_n3A, %reduce_min3A_36 [1] : vector<1024x512xf32> to vector<1024xf32>
    %add3A_38 = arith.constant 0.000000e+00 : f32
    %add3A_39 = vector.broadcast %add3A_38 : f32 to vector<1024xf32>
    %add3A_40 = arith.addf %reduce_min3A_37, %add3A_39 : vector<1024xf32>
    %lt3A = arith.cmpf olt, %reduce_min3A_32, %broadcast_in_dim3A_11 : vector<1024xf32>
    %select_n3A_41 = arith.select %lt3A, %add3A_40, %broadcast_in_dim3A_13 : vector<1024xi1>, vector<1024xf32>
    %select_n3A_42 = arith.select %lt3A, %reduce_min3A_32, %broadcast_in_dim3A_11 : vector<1024xi1>, vector<1024xf32>
    %get3A_43 = arith.constant 512 : index
    %get3A_44 = arith.constant 0 : index
    %get3A_45 = vector.load %arg3[%get3A_43, %get3A_44] : memref<8192x256xbf16, #tpu.memory_space<vmem>>, vector<512x256xbf16>
    %slice3A_46 = vector.extract_strided_slice %get3A_45 {offsets = [0, 0], sizes = [512, 128], strides = [1, 1]} : vector<512x256xbf16> to vector<512x128xbf16>
    %dot_general3A_47 = arith.constant dense<0.000000e+00> : vector<1024x512xf32>
    %dot_general3A_48 = tpu.matmul %slice3A, %slice3A_46, %dot_general3A_47 {dimension_numbers = #tpu.dot_dimension_numbers<[1], [1], [0], [0], [0, 0, 1, 0], [], []>, transpose_lhs_hint = false} : vector<1024x128xbf16>, vector<512x128xbf16>, vector<1024x512xf32> -> vector<1024x512xf32>
    %slice3A_49 = vector.extract_strided_slice %get3A_45 {offsets = [0, 128], sizes = [512, 128], strides = [1, 1]} : vector<512x256xbf16> to vector<512x128xbf16>
    %dot_general3A_50 = arith.constant dense<0.000000e+00> : vector<1024x512xf32>
    %dot_general3A_51 = tpu.matmul %slice3A_2, %slice3A_49, %dot_general3A_50 {dimension_numbers = #tpu.dot_dimension_numbers<[1], [1], [0], [0], [0, 0, 1, 0], [], []>, transpose_lhs_hint = false} : vector<1024x128xbf16>, vector<512x128xbf16>, vector<1024x512xf32> -> vector<1024x512xf32>
    %add3A_52 = arith.addf %dot_general3A_48, %dot_general3A_51 : vector<1024x512xf32>
    %get3A_53 = arith.constant 1 : index
    %get3A_54 = arith.constant 0 : index
    %get3A_55 = arith.constant 0 : index
    %get3A_56 = vector.load %arg4[%get3A_53, %get3A_54, %get3A_55] : memref<16x1x512xf32, #tpu.memory_space<vmem>>, vector<1x1x512xf32>
    %get3A_57 = vector.shape_cast %get3A_56 : vector<1x1x512xf32> to vector<1x512xf32>
    %add3A_58 = vector.broadcast %get3A_5 : vector<1024x1xf32> to vector<1024x512xf32>
    %add3A_59 = vector.broadcast %get3A_57 : vector<1x512xf32> to vector<1024x512xf32>
    %add3A_60 = arith.addf %add3A_58, %add3A_59 : vector<1024x512xf32>
    %mul3A_61 = arith.constant 2.000000e+00 : f32
    %mul3A_62 = vector.broadcast %mul3A_61 : f32 to vector<1024x512xf32>
    %mul3A_63 = arith.mulf %mul3A_62, %add3A_52 : vector<1024x512xf32>
    %sub3A_64 = arith.subf %add3A_60, %mul3A_63 : vector<1024x512xf32>
    %reduce_min3A_65 = arith.constant dense<0x7F800000> : vector<1024xf32>
    %reduce_min3A_66 = vector.multi_reduction <minimumf>, %sub3A_64, %reduce_min3A_65 [1] : vector<1024x512xf32> to vector<1024xf32>
    %broadcast_in_dim3A_67 = vector.shape_cast %reduce_min3A_66 : vector<1024xf32> to vector<1024x1xf32>
    %eq3A_68 = vector.broadcast %broadcast_in_dim3A_67 : vector<1024x1xf32> to vector<1024x512xf32>
    %eq3A_69 = arith.cmpf oeq, %sub3A_64, %eq3A_68 : vector<1024x512xf32>
    %jit3A_70 = arith.constant 1.000000e+09 : f32
    %broadcast_in_dim3A_71 = vector.broadcast %jit3A_70 : f32 to vector<1024x512xf32>
    %select_n3A_72 = arith.select %eq3A_69, %convert_element_type3A_6, %broadcast_in_dim3A_71 : vector<1024x512xi1>, vector<1024x512xf32>
    %reduce_min3A_73 = arith.constant dense<0x7F800000> : vector<1024xf32>
    %reduce_min3A_74 = vector.multi_reduction <minimumf>, %select_n3A_72, %reduce_min3A_73 [1] : vector<1024x512xf32> to vector<1024xf32>
    %add3A_75 = arith.constant 5.120000e+02 : f32
    %add3A_76 = vector.broadcast %add3A_75 : f32 to vector<1024xf32>
    %add3A_77 = arith.addf %reduce_min3A_74, %add3A_76 : vector<1024xf32>
    %lt3A_78 = arith.cmpf olt, %reduce_min3A_66, %select_n3A_42 : vector<1024xf32>
    %select_n3A_79 = arith.select %lt3A_78, %add3A_77, %select_n3A_41 : vector<1024xi1>, vector<1024xf32>
    %select_n3A_80 = arith.select %lt3A_78, %reduce_min3A_66, %select_n3A_42 : vector<1024xi1>, vector<1024xf32>
    %get3A_81 = arith.constant 1024 : index
    %get3A_82 = arith.constant 0 : index
    %get3A_83 = vector.load %arg3[%get3A_81, %get3A_82] : memref<8192x256xbf16, #tpu.memory_space<vmem>>, vector<512x256xbf16>
    %slice3A_84 = vector.extract_strided_slice %get3A_83 {offsets = [0, 0], sizes = [512, 128], strides = [1, 1]} : vector<512x256xbf16> to vector<512x128xbf16>
    %dot_general3A_85 = arith.constant dense<0.000000e+00> : vector<1024x512xf32>
    %dot_general3A_86 = tpu.matmul %slice3A, %slice3A_84, %dot_general3A_85 {dimension_numbers = #tpu.dot_dimension_numbers<[1], [1], [0], [0], [0, 0, 1, 0], [], []>, transpose_lhs_hint = false} : vector<1024x128xbf16>, vector<512x128xbf16>, vector<1024x512xf32> -> vector<1024x512xf32>
    %slice3A_87 = vector.extract_strided_slice %get3A_83 {offsets = [0, 128], sizes = [512, 128], strides = [1, 1]} : vector<512x256xbf16> to vector<512x128xbf16>
    %dot_general3A_88 = arith.constant dense<0.000000e+00> : vector<1024x512xf32>
    %dot_general3A_89 = tpu.matmul %slice3A_2, %slice3A_87, %dot_general3A_88 {dimension_numbers = #tpu.dot_dimension_numbers<[1], [1], [0], [0], [0, 0, 1, 0], [], []>, transpose_lhs_hint = false} : vector<1024x128xbf16>, vector<512x128xbf16>, vector<1024x512xf32> -> vector<1024x512xf32>
    %add3A_90 = arith.addf %dot_general3A_86, %dot_general3A_89 : vector<1024x512xf32>
    %get3A_91 = arith.constant 2 : index
    %get3A_92 = arith.constant 0 : index
    %get3A_93 = arith.constant 0 : index
    %get3A_94 = vector.load %arg4[%get3A_91, %get3A_92, %get3A_93] : memref<16x1x512xf32, #tpu.memory_space<vmem>>, vector<1x1x512xf32>
    %get3A_95 = vector.shape_cast %get3A_94 : vector<1x1x512xf32> to vector<1x512xf32>
    %add3A_96 = vector.broadcast %get3A_5 : vector<1024x1xf32> to vector<1024x512xf32>
    %add3A_97 = vector.broadcast %get3A_95 : vector<1x512xf32> to vector<1024x512xf32>
    %add3A_98 = arith.addf %add3A_96, %add3A_97 : vector<1024x512xf32>
    %mul3A_99 = arith.constant 2.000000e+00 : f32
    %mul3A_100 = vector.broadcast %mul3A_99 : f32 to vector<1024x512xf32>
    %mul3A_101 = arith.mulf %mul3A_100, %add3A_90 : vector<1024x512xf32>
    %sub3A_102 = arith.subf %add3A_98, %mul3A_101 : vector<1024x512xf32>
    %reduce_min3A_103 = arith.constant dense<0x7F800000> : vector<1024xf32>
    %reduce_min3A_104 = vector.multi_reduction <minimumf>, %sub3A_102, %reduce_min3A_103 [1] : vector<1024x512xf32> to vector<1024xf32>
    %broadcast_in_dim3A_105 = vector.shape_cast %reduce_min3A_104 : vector<1024xf32> to vector<1024x1xf32>
    %eq3A_106 = vector.broadcast %broadcast_in_dim3A_105 : vector<1024x1xf32> to vector<1024x512xf32>
    %eq3A_107 = arith.cmpf oeq, %sub3A_102, %eq3A_106 : vector<1024x512xf32>
    %jit3A_108 = arith.constant 1.000000e+09 : f32
    %broadcast_in_dim3A_109 = vector.broadcast %jit3A_108 : f32 to vector<1024x512xf32>
    %select_n3A_110 = arith.select %eq3A_107, %convert_element_type3A_6, %broadcast_in_dim3A_109 : vector<1024x512xi1>, vector<1024x512xf32>
    %reduce_min3A_111 = arith.constant dense<0x7F800000> : vector<1024xf32>
    %reduce_min3A_112 = vector.multi_reduction <minimumf>, %select_n3A_110, %reduce_min3A_111 [1] : vector<1024x512xf32> to vector<1024xf32>
    %add3A_113 = arith.constant 1.024000e+03 : f32
    %add3A_114 = vector.broadcast %add3A_113 : f32 to vector<1024xf32>
    %add3A_115 = arith.addf %reduce_min3A_112, %add3A_114 : vector<1024xf32>
    %lt3A_116 = arith.cmpf olt, %reduce_min3A_104, %select_n3A_80 : vector<1024xf32>
    %select_n3A_117 = arith.select %lt3A_116, %add3A_115, %select_n3A_79 : vector<1024xi1>, vector<1024xf32>
    %select_n3A_118 = arith.select %lt3A_116, %reduce_min3A_104, %select_n3A_80 : vector<1024xi1>, vector<1024xf32>
    %get3A_119 = arith.constant 1536 : index
    %get3A_120 = arith.constant 0 : index
    %get3A_121 = vector.load %arg3[%get3A_119, %get3A_120] : memref<8192x256xbf16, #tpu.memory_space<vmem>>, vector<512x256xbf16>
    %slice3A_122 = vector.extract_strided_slice %get3A_121 {offsets = [0, 0], sizes = [512, 128], strides = [1, 1]} : vector<512x256xbf16> to vector<512x128xbf16>
    %dot_general3A_123 = arith.constant dense<0.000000e+00> : vector<1024x512xf32>
    %dot_general3A_124 = tpu.matmul %slice3A, %slice3A_122, %dot_general3A_123 {dimension_numbers = #tpu.dot_dimension_numbers<[1], [1], [0], [0], [0, 0, 1, 0], [], []>, transpose_lhs_hint = false} : vector<1024x128xbf16>, vector<512x128xbf16>, vector<1024x512xf32> -> vector<1024x512xf32>
    %slice3A_125 = vector.extract_strided_slice %get3A_121 {offsets = [0, 128], sizes = [512, 128], strides = [1, 1]} : vector<512x256xbf16> to vector<512x128xbf16>
    %dot_general3A_126 = arith.constant dense<0.000000e+00> : vector<1024x512xf32>
    %dot_general3A_127 = tpu.matmul %slice3A_2, %slice3A_125, %dot_general3A_126 {dimension_numbers = #tpu.dot_dimension_numbers<[1], [1], [0], [0], [0, 0, 1, 0], [], []>, transpose_lhs_hint = false} : vector<1024x128xbf16>, vector<512x128xbf16>, vector<1024x512xf32> -> vector<1024x512xf32>
    %add3A_128 = arith.addf %dot_general3A_124, %dot_general3A_127 : vector<1024x512xf32>
    %get3A_129 = arith.constant 3 : index
    %get3A_130 = arith.constant 0 : index
    %get3A_131 = arith.constant 0 : index
    %get3A_132 = vector.load %arg4[%get3A_129, %get3A_130, %get3A_131] : memref<16x1x512xf32, #tpu.memory_space<vmem>>, vector<1x1x512xf32>
    %get3A_133 = vector.shape_cast %get3A_132 : vector<1x1x512xf32> to vector<1x512xf32>
    %add3A_134 = vector.broadcast %get3A_5 : vector<1024x1xf32> to vector<1024x512xf32>
    %add3A_135 = vector.broadcast %get3A_133 : vector<1x512xf32> to vector<1024x512xf32>
    %add3A_136 = arith.addf %add3A_134, %add3A_135 : vector<1024x512xf32>
    %mul3A_137 = arith.constant 2.000000e+00 : f32
    %mul3A_138 = vector.broadcast %mul3A_137 : f32 to vector<1024x512xf32>
    %mul3A_139 = arith.mulf %mul3A_138, %add3A_128 : vector<1024x512xf32>
    %sub3A_140 = arith.subf %add3A_136, %mul3A_139 : vector<1024x512xf32>
    %reduce_min3A_141 = arith.constant dense<0x7F800000> : vector<1024xf32>
    %reduce_min3A_142 = vector.multi_reduction <minimumf>, %sub3A_140, %reduce_min3A_141 [1] : vector<1024x512xf32> to vector<1024xf32>
    %broadcast_in_dim3A_143 = vector.shape_cast %reduce_min3A_142 : vector<1024xf32> to vector<1024x1xf32>
    %eq3A_144 = vector.broadcast %broadcast_in_dim3A_143 : vector<1024x1xf32> to vector<1024x512xf32>
    %eq3A_145 = arith.cmpf oeq, %sub3A_140, %eq3A_144 : vector<1024x512xf32>
    %jit3A_146 = arith.constant 1.000000e+09 : f32
    %broadcast_in_dim3A_147 = vector.broadcast %jit3A_146 : f32 to vector<1024x512xf32>
    %select_n3A_148 = arith.select %eq3A_145, %convert_element_type3A_6, %broadcast_in_dim3A_147 : vector<1024x512xi1>, vector<1024x512xf32>
    %reduce_min3A_149 = arith.constant dense<0x7F800000> : vector<1024xf32>
    %reduce_min3A_150 = vector.multi_reduction <minimumf>, %select_n3A_148, %reduce_min3A_149 [1] : vector<1024x512xf32> to vector<1024xf32>
    %add3A_151 = arith.constant 1.536000e+03 : f32
    %add3A_152 = vector.broadcast %add3A_151 : f32 to vector<1024xf32>
    %add3A_153 = arith.addf %reduce_min3A_150, %add3A_152 : vector<1024xf32>
    %lt3A_154 = arith.cmpf olt, %reduce_min3A_142, %select_n3A_118 : vector<1024xf32>
    %select_n3A_155 = arith.select %lt3A_154, %add3A_153, %select_n3A_117 : vector<1024xi1>, vector<1024xf32>
    %select_n3A_156 = arith.select %lt3A_154, %reduce_min3A_142, %select_n3A_118 : vector<1024xi1>, vector<1024xf32>
    %get3A_157 = arith.constant 2048 : index
    %get3A_158 = arith.constant 0 : index
    %get3A_159 = vector.load %arg3[%get3A_157, %get3A_158] : memref<8192x256xbf16, #tpu.memory_space<vmem>>, vector<512x256xbf16>
    %slice3A_160 = vector.extract_strided_slice %get3A_159 {offsets = [0, 0], sizes = [512, 128], strides = [1, 1]} : vector<512x256xbf16> to vector<512x128xbf16>
    %dot_general3A_161 = arith.constant dense<0.000000e+00> : vector<1024x512xf32>
    %dot_general3A_162 = tpu.matmul %slice3A, %slice3A_160, %dot_general3A_161 {dimension_numbers = #tpu.dot_dimension_numbers<[1], [1], [0], [0], [0, 0, 1, 0], [], []>, transpose_lhs_hint = false} : vector<1024x128xbf16>, vector<512x128xbf16>, vector<1024x512xf32> -> vector<1024x512xf32>
    %slice3A_163 = vector.extract_strided_slice %get3A_159 {offsets = [0, 128], sizes = [512, 128], strides = [1, 1]} : vector<512x256xbf16> to vector<512x128xbf16>
    %dot_general3A_164 = arith.constant dense<0.000000e+00> : vector<1024x512xf32>
    %dot_general3A_165 = tpu.matmul %slice3A_2, %slice3A_163, %dot_general3A_164 {dimension_numbers = #tpu.dot_dimension_numbers<[1], [1], [0], [0], [0, 0, 1, 0], [], []>, transpose_lhs_hint = false} : vector<1024x128xbf16>, vector<512x128xbf16>, vector<1024x512xf32> -> vector<1024x512xf32>
    %add3A_166 = arith.addf %dot_general3A_162, %dot_general3A_165 : vector<1024x512xf32>
    %get3A_167 = arith.constant 4 : index
    %get3A_168 = arith.constant 0 : index
    %get3A_169 = arith.constant 0 : index
    %get3A_170 = vector.load %arg4[%get3A_167, %get3A_168, %get3A_169] : memref<16x1x512xf32, #tpu.memory_space<vmem>>, vector<1x1x512xf32>
    %get3A_171 = vector.shape_cast %get3A_170 : vector<1x1x512xf32> to vector<1x512xf32>
    %add3A_172 = vector.broadcast %get3A_5 : vector<1024x1xf32> to vector<1024x512xf32>
    %add3A_173 = vector.broadcast %get3A_171 : vector<1x512xf32> to vector<1024x512xf32>
    %add3A_174 = arith.addf %add3A_172, %add3A_173 : vector<1024x512xf32>
    %mul3A_175 = arith.constant 2.000000e+00 : f32
    %mul3A_176 = vector.broadcast %mul3A_175 : f32 to vector<1024x512xf32>
    %mul3A_177 = arith.mulf %mul3A_176, %add3A_166 : vector<1024x512xf32>
    %sub3A_178 = arith.subf %add3A_174, %mul3A_177 : vector<1024x512xf32>
    %reduce_min3A_179 = arith.constant dense<0x7F800000> : vector<1024xf32>
    %reduce_min3A_180 = vector.multi_reduction <minimumf>, %sub3A_178, %reduce_min3A_179 [1] : vector<1024x512xf32> to vector<1024xf32>
    %broadcast_in_dim3A_181 = vector.shape_cast %reduce_min3A_180 : vector<1024xf32> to vector<1024x1xf32>
    %eq3A_182 = vector.broadcast %broadcast_in_dim3A_181 : vector<1024x1xf32> to vector<1024x512xf32>
    %eq3A_183 = arith.cmpf oeq, %sub3A_178, %eq3A_182 : vector<1024x512xf32>
    %jit3A_184 = arith.constant 1.000000e+09 : f32
    %broadcast_in_dim3A_185 = vector.broadcast %jit3A_184 : f32 to vector<1024x512xf32>
    %select_n3A_186 = arith.select %eq3A_183, %convert_element_type3A_6, %broadcast_in_dim3A_185 : vector<1024x512xi1>, vector<1024x512xf32>
    %reduce_min3A_187 = arith.constant dense<0x7F800000> : vector<1024xf32>
    %reduce_min3A_188 = vector.multi_reduction <minimumf>, %select_n3A_186, %reduce_min3A_187 [1] : vector<1024x512xf32> to vector<1024xf32>
    %add3A_189 = arith.constant 2.048000e+03 : f32
    %add3A_190 = vector.broadcast %add3A_189 : f32 to vector<1024xf32>
    %add3A_191 = arith.addf %reduce_min3A_188, %add3A_190 : vector<1024xf32>
    %lt3A_192 = arith.cmpf olt, %reduce_min3A_180, %select_n3A_156 : vector<1024xf32>
    %select_n3A_193 = arith.select %lt3A_192, %add3A_191, %select_n3A_155 : vector<1024xi1>, vector<1024xf32>
    %select_n3A_194 = arith.select %lt3A_192, %reduce_min3A_180, %select_n3A_156 : vector<1024xi1>, vector<1024xf32>
    %get3A_195 = arith.constant 2560 : index
    %get3A_196 = arith.constant 0 : index
    %get3A_197 = vector.load %arg3[%get3A_195, %get3A_196] : memref<8192x256xbf16, #tpu.memory_space<vmem>>, vector<512x256xbf16>
    %slice3A_198 = vector.extract_strided_slice %get3A_197 {offsets = [0, 0], sizes = [512, 128], strides = [1, 1]} : vector<512x256xbf16> to vector<512x128xbf16>
    %dot_general3A_199 = arith.constant dense<0.000000e+00> : vector<1024x512xf32>
    %dot_general3A_200 = tpu.matmul %slice3A, %slice3A_198, %dot_general3A_199 {dimension_numbers = #tpu.dot_dimension_numbers<[1], [1], [0], [0], [0, 0, 1, 0], [], []>, transpose_lhs_hint = false} : vector<1024x128xbf16>, vector<512x128xbf16>, vector<1024x512xf32> -> vector<1024x512xf32>
    %slice3A_201 = vector.extract_strided_slice %get3A_197 {offsets = [0, 128], sizes = [512, 128], strides = [1, 1]} : vector<512x256xbf16> to vector<512x128xbf16>
    %dot_general3A_202 = arith.constant dense<0.000000e+00> : vector<1024x512xf32>
    %dot_general3A_203 = tpu.matmul %slice3A_2, %slice3A_201, %dot_general3A_202 {dimension_numbers = #tpu.dot_dimension_numbers<[1], [1], [0], [0], [0, 0, 1, 0], [], []>, transpose_lhs_hint = false} : vector<1024x128xbf16>, vector<512x128xbf16>, vector<1024x512xf32> -> vector<1024x512xf32>
    %add3A_204 = arith.addf %dot_general3A_200, %dot_general3A_203 : vector<1024x512xf32>
    %get3A_205 = arith.constant 5 : index
    %get3A_206 = arith.constant 0 : index
    %get3A_207 = arith.constant 0 : index
    %get3A_208 = vector.load %arg4[%get3A_205, %get3A_206, %get3A_207] : memref<16x1x512xf32, #tpu.memory_space<vmem>>, vector<1x1x512xf32>
    %get3A_209 = vector.shape_cast %get3A_208 : vector<1x1x512xf32> to vector<1x512xf32>
    %add3A_210 = vector.broadcast %get3A_5 : vector<1024x1xf32> to vector<1024x512xf32>
    %add3A_211 = vector.broadcast %get3A_209 : vector<1x512xf32> to vector<1024x512xf32>
    %add3A_212 = arith.addf %add3A_210, %add3A_211 : vector<1024x512xf32>
    %mul3A_213 = arith.constant 2.000000e+00 : f32
    %mul3A_214 = vector.broadcast %mul3A_213 : f32 to vector<1024x512xf32>
    %mul3A_215 = arith.mulf %mul3A_214, %add3A_204 : vector<1024x512xf32>
    %sub3A_216 = arith.subf %add3A_212, %mul3A_215 : vector<1024x512xf32>
    %iota3A_217 = tpu.iota {dimensions = array<i32: 1>} : vector<1024x512xi32>
    %add3A_218 = arith.constant 2560 : i32
    %add3A_219 = vector.broadcast %add3A_218 : i32 to vector<1024x512xi32>
    %add3A_220 = arith.addi %iota3A_217, %add3A_219 : vector<1024x512xi32>
    %ge3A = arith.constant 0 : i32
    %ge3A_221 = vector.broadcast %ge3A : i32 to vector<1024x512xi32>
    %ge3A_222 = arith.cmpi sge, %add3A_220, %ge3A_221 : vector<1024x512xi32>
    %lt3A_223 = arith.constant 2736 : i32
    %lt3A_224 = vector.broadcast %lt3A_223 : i32 to vector<1024x512xi32>
    %lt3A_225 = arith.cmpi slt, %add3A_220, %lt3A_224 : vector<1024x512xi32>
    %and3A = arith.andi %ge3A_222, %lt3A_225 : vector<1024x512xi1>
    %jit3A_226 = arith.constant 0x7F800000 : f32
    %broadcast_in_dim3A_227 = vector.broadcast %jit3A_226 : f32 to vector<1024x512xf32>
    %select_n3A_228 = arith.select %and3A, %sub3A_216, %broadcast_in_dim3A_227 : vector<1024x512xi1>, vector<1024x512xf32>
    %reduce_min3A_229 = arith.constant dense<0x7F800000> : vector<1024xf32>
    %reduce_min3A_230 = vector.multi_reduction <minimumf>, %select_n3A_228, %reduce_min3A_229 [1] : vector<1024x512xf32> to vector<1024xf32>
    %broadcast_in_dim3A_231 = vector.shape_cast %reduce_min3A_230 : vector<1024xf32> to vector<1024x1xf32>
    %eq3A_232 = vector.broadcast %broadcast_in_dim3A_231 : vector<1024x1xf32> to vector<1024x512xf32>
    %eq3A_233 = arith.cmpf oeq, %select_n3A_228, %eq3A_232 : vector<1024x512xf32>
    %jit3A_234 = arith.constant 1.000000e+09 : f32
    %broadcast_in_dim3A_235 = vector.broadcast %jit3A_234 : f32 to vector<1024x512xf32>
    %select_n3A_236 = arith.select %eq3A_233, %convert_element_type3A_6, %broadcast_in_dim3A_235 : vector<1024x512xi1>, vector<1024x512xf32>
    %reduce_min3A_237 = arith.constant dense<0x7F800000> : vector<1024xf32>
    %reduce_min3A_238 = vector.multi_reduction <minimumf>, %select_n3A_236, %reduce_min3A_237 [1] : vector<1024x512xf32> to vector<1024xf32>
    %add3A_239 = arith.constant 2.560000e+03 : f32
    %add3A_240 = vector.broadcast %add3A_239 : f32 to vector<1024xf32>
    %add3A_241 = arith.addf %reduce_min3A_238, %add3A_240 : vector<1024xf32>
    %lt3A_242 = arith.cmpf olt, %reduce_min3A_230, %select_n3A_194 : vector<1024xf32>
    %select_n3A_243 = arith.select %lt3A_242, %add3A_241, %select_n3A_193 : vector<1024xi1>, vector<1024xf32>
    %select_n3A_244 = arith.select %lt3A_242, %reduce_min3A_230, %select_n3A_194 : vector<1024xi1>, vector<1024xf32>
    %convert_element_type3A_245 = arith.fptosi %select_n3A_243 : vector<1024xf32> to vector<1024xi32>
    %lt3A_246 = arith.cmpf olt, %select_n3A_244, %broadcast_in_dim3A_7 : vector<1024xf32>
    %eq3A_247 = arith.cmpf oeq, %select_n3A_244, %broadcast_in_dim3A_7 : vector<1024xf32>
    %lt3A_248 = arith.cmpi slt, %convert_element_type3A_245, %broadcast_in_dim3A_9 : vector<1024xi32>
    %and3A_249 = arith.andi %eq3A_247, %lt3A_248 : vector<1024xi1>
    %or3A = arith.ori %lt3A_246, %and3A_249 : vector<1024xi1>
    %select_n3A_250 = arith.select %or3A, %convert_element_type3A_245, %broadcast_in_dim3A_9 : vector<1024xi1>, vector<1024xi32>
    %select_n3A_251 = arith.select %or3A, %select_n3A_244, %broadcast_in_dim3A_7 : vector<1024xi1>, vector<1024xf32>
    %convert_element_type3A_252 = arith.truncf %select_n3A_251 : vector<1024xf32> to vector<1024xbf16>
    %convert_element_type3A_253 = arith.extf %convert_element_type3A_252 : vector<1024xbf16> to vector<1024xf32>
    %broadcast_in_dim3A_254 = arith.constant 0x7F800000 : f32
    %broadcast_in_dim3A_255 = vector.broadcast %broadcast_in_dim3A_254 : f32 to vector<1024xf32>
    %broadcast_in_dim3A_256 = arith.constant 0.000000e+00 : f32
    %broadcast_in_dim3A_257 = vector.broadcast %broadcast_in_dim3A_256 : f32 to vector<1024xf32>
    %iota3A_258 = tpu.iota {dimensions = array<i32: 1>} : vector<1024x512xi32>
    %add3A_259 = arith.constant 2560 : i32
    %add3A_260 = vector.broadcast %add3A_259 : i32 to vector<1024x512xi32>
    %add3A_261 = arith.addi %iota3A_258, %add3A_260 : vector<1024x512xi32>
    %ge3A_262 = arith.constant 2736 : i32
    %ge3A_263 = vector.broadcast %ge3A_262 : i32 to vector<1024x512xi32>
    %ge3A_264 = arith.cmpi sge, %add3A_261, %ge3A_263 : vector<1024x512xi32>
    %lt3A_265 = arith.constant 5472 : i32
    %lt3A_266 = vector.broadcast %lt3A_265 : i32 to vector<1024x512xi32>
    %lt3A_267 = arith.cmpi slt, %add3A_261, %lt3A_266 : vector<1024x512xi32>
    %and3A_268 = arith.andi %ge3A_264, %lt3A_267 : vector<1024x512xi1>
    %jit3A_269 = arith.constant 0x7F800000 : f32
    %broadcast_in_dim3A_270 = vector.broadcast %jit3A_269 : f32 to vector<1024x512xf32>
    %select_n3A_271 = arith.select %and3A_268, %sub3A_216, %broadcast_in_dim3A_270 : vector<1024x512xi1>, vector<1024x512xf32>
    %reduce_min3A_272 = arith.constant dense<0x7F800000> : vector<1024xf32>
    %reduce_min3A_273 = vector.multi_reduction <minimumf>, %select_n3A_271, %reduce_min3A_272 [1] : vector<1024x512xf32> to vector<1024xf32>
    %broadcast_in_dim3A_274 = vector.shape_cast %reduce_min3A_273 : vector<1024xf32> to vector<1024x1xf32>
    %eq3A_275 = vector.broadcast %broadcast_in_dim3A_274 : vector<1024x1xf32> to vector<1024x512xf32>
    %eq3A_276 = arith.cmpf oeq, %select_n3A_271, %eq3A_275 : vector<1024x512xf32>
    %jit3A_277 = arith.constant 1.000000e+09 : f32
    %broadcast_in_dim3A_278 = vector.broadcast %jit3A_277 : f32 to vector<1024x512xf32>
    %select_n3A_279 = arith.select %eq3A_276, %convert_element_type3A_6, %broadcast_in_dim3A_278 : vector<1024x512xi1>, vector<1024x512xf32>
    %reduce_min3A_280 = arith.constant dense<0x7F800000> : vector<1024xf32>
    %reduce_min3A_281 = vector.multi_reduction <minimumf>, %select_n3A_279, %reduce_min3A_280 [1] : vector<1024x512xf32> to vector<1024xf32>
    %add3A_282 = arith.constant 2.560000e+03 : f32
    %add3A_283 = vector.broadcast %add3A_282 : f32 to vector<1024xf32>
    %add3A_284 = arith.addf %reduce_min3A_281, %add3A_283 : vector<1024xf32>
    %lt3A_285 = arith.cmpf olt, %reduce_min3A_273, %broadcast_in_dim3A_255 : vector<1024xf32>
    %select_n3A_286 = arith.select %lt3A_285, %add3A_284, %broadcast_in_dim3A_257 : vector<1024xi1>, vector<1024xf32>
    %select_n3A_287 = arith.select %lt3A_285, %reduce_min3A_273, %broadcast_in_dim3A_255 : vector<1024xi1>, vector<1024xf32>
    %get3A_288 = arith.constant 3072 : index
    %get3A_289 = arith.constant 0 : index
    %get3A_290 = vector.load %arg3[%get3A_288, %get3A_289] : memref<8192x256xbf16, #tpu.memory_space<vmem>>, vector<512x256xbf16>
    %slice3A_291 = vector.extract_strided_slice %get3A_290 {offsets = [0, 0], sizes = [512, 128], strides = [1, 1]} : vector<512x256xbf16> to vector<512x128xbf16>
    %dot_general3A_292 = arith.constant dense<0.000000e+00> : vector<1024x512xf32>
    %dot_general3A_293 = tpu.matmul %slice3A, %slice3A_291, %dot_general3A_292 {dimension_numbers = #tpu.dot_dimension_numbers<[1], [1], [0], [0], [0, 0, 1, 0], [], []>, transpose_lhs_hint = false} : vector<1024x128xbf16>, vector<512x128xbf16>, vector<1024x512xf32> -> vector<1024x512xf32>
    %slice3A_294 = vector.extract_strided_slice %get3A_290 {offsets = [0, 128], sizes = [512, 128], strides = [1, 1]} : vector<512x256xbf16> to vector<512x128xbf16>
    %dot_general3A_295 = arith.constant dense<0.000000e+00> : vector<1024x512xf32>
    %dot_general3A_296 = tpu.matmul %slice3A_2, %slice3A_294, %dot_general3A_295 {dimension_numbers = #tpu.dot_dimension_numbers<[1], [1], [0], [0], [0, 0, 1, 0], [], []>, transpose_lhs_hint = false} : vector<1024x128xbf16>, vector<512x128xbf16>, vector<1024x512xf32> -> vector<1024x512xf32>
    %add3A_297 = arith.addf %dot_general3A_293, %dot_general3A_296 : vector<1024x512xf32>
    %get3A_298 = arith.constant 6 : index
    %get3A_299 = arith.constant 0 : index
    %get3A_300 = arith.constant 0 : index
    %get3A_301 = vector.load %arg4[%get3A_298, %get3A_299, %get3A_300] : memref<16x1x512xf32, #tpu.memory_space<vmem>>, vector<1x1x512xf32>
    %get3A_302 = vector.shape_cast %get3A_301 : vector<1x1x512xf32> to vector<1x512xf32>
    %add3A_303 = vector.broadcast %get3A_5 : vector<1024x1xf32> to vector<1024x512xf32>
    %add3A_304 = vector.broadcast %get3A_302 : vector<1x512xf32> to vector<1024x512xf32>
    %add3A_305 = arith.addf %add3A_303, %add3A_304 : vector<1024x512xf32>
    %mul3A_306 = arith.constant 2.000000e+00 : f32
    %mul3A_307 = vector.broadcast %mul3A_306 : f32 to vector<1024x512xf32>
    %mul3A_308 = arith.mulf %mul3A_307, %add3A_297 : vector<1024x512xf32>
    %sub3A_309 = arith.subf %add3A_305, %mul3A_308 : vector<1024x512xf32>
    %reduce_min3A_310 = arith.constant dense<0x7F800000> : vector<1024xf32>
    %reduce_min3A_311 = vector.multi_reduction <minimumf>, %sub3A_309, %reduce_min3A_310 [1] : vector<1024x512xf32> to vector<1024xf32>
    %broadcast_in_dim3A_312 = vector.shape_cast %reduce_min3A_311 : vector<1024xf32> to vector<1024x1xf32>
    %eq3A_313 = vector.broadcast %broadcast_in_dim3A_312 : vector<1024x1xf32> to vector<1024x512xf32>
    %eq3A_314 = arith.cmpf oeq, %sub3A_309, %eq3A_313 : vector<1024x512xf32>
    %jit3A_315 = arith.constant 1.000000e+09 : f32
    %broadcast_in_dim3A_316 = vector.broadcast %jit3A_315 : f32 to vector<1024x512xf32>
    %select_n3A_317 = arith.select %eq3A_314, %convert_element_type3A_6, %broadcast_in_dim3A_316 : vector<1024x512xi1>, vector<1024x512xf32>
    %reduce_min3A_318 = arith.constant dense<0x7F800000> : vector<1024xf32>
    %reduce_min3A_319 = vector.multi_reduction <minimumf>, %select_n3A_317, %reduce_min3A_318 [1] : vector<1024x512xf32> to vector<1024xf32>
    %add3A_320 = arith.constant 3.072000e+03 : f32
    %add3A_321 = vector.broadcast %add3A_320 : f32 to vector<1024xf32>
    %add3A_322 = arith.addf %reduce_min3A_319, %add3A_321 : vector<1024xf32>
    %lt3A_323 = arith.cmpf olt, %reduce_min3A_311, %select_n3A_287 : vector<1024xf32>
    %select_n3A_324 = arith.select %lt3A_323, %add3A_322, %select_n3A_286 : vector<1024xi1>, vector<1024xf32>
    %select_n3A_325 = arith.select %lt3A_323, %reduce_min3A_311, %select_n3A_287 : vector<1024xi1>, vector<1024xf32>
    %get3A_326 = arith.constant 3584 : index
    %get3A_327 = arith.constant 0 : index
    %get3A_328 = vector.load %arg3[%get3A_326, %get3A_327] : memref<8192x256xbf16, #tpu.memory_space<vmem>>, vector<512x256xbf16>
    %slice3A_329 = vector.extract_strided_slice %get3A_328 {offsets = [0, 0], sizes = [512, 128], strides = [1, 1]} : vector<512x256xbf16> to vector<512x128xbf16>
    %dot_general3A_330 = arith.constant dense<0.000000e+00> : vector<1024x512xf32>
    %dot_general3A_331 = tpu.matmul %slice3A, %slice3A_329, %dot_general3A_330 {dimension_numbers = #tpu.dot_dimension_numbers<[1], [1], [0], [0], [0, 0, 1, 0], [], []>, transpose_lhs_hint = false} : vector<1024x128xbf16>, vector<512x128xbf16>, vector<1024x512xf32> -> vector<1024x512xf32>
    %slice3A_332 = vector.extract_strided_slice %get3A_328 {offsets = [0, 128], sizes = [512, 128], strides = [1, 1]} : vector<512x256xbf16> to vector<512x128xbf16>
    %dot_general3A_333 = arith.constant dense<0.000000e+00> : vector<1024x512xf32>
    %dot_general3A_334 = tpu.matmul %slice3A_2, %slice3A_332, %dot_general3A_333 {dimension_numbers = #tpu.dot_dimension_numbers<[1], [1], [0], [0], [0, 0, 1, 0], [], []>, transpose_lhs_hint = false} : vector<1024x128xbf16>, vector<512x128xbf16>, vector<1024x512xf32> -> vector<1024x512xf32>
    %add3A_335 = arith.addf %dot_general3A_331, %dot_general3A_334 : vector<1024x512xf32>
    %get3A_336 = arith.constant 7 : index
    %get3A_337 = arith.constant 0 : index
    %get3A_338 = arith.constant 0 : index
    %get3A_339 = vector.load %arg4[%get3A_336, %get3A_337, %get3A_338] : memref<16x1x512xf32, #tpu.memory_space<vmem>>, vector<1x1x512xf32>
    %get3A_340 = vector.shape_cast %get3A_339 : vector<1x1x512xf32> to vector<1x512xf32>
    %add3A_341 = vector.broadcast %get3A_5 : vector<1024x1xf32> to vector<1024x512xf32>
    %add3A_342 = vector.broadcast %get3A_340 : vector<1x512xf32> to vector<1024x512xf32>
    %add3A_343 = arith.addf %add3A_341, %add3A_342 : vector<1024x512xf32>
    %mul3A_344 = arith.constant 2.000000e+00 : f32
    %mul3A_345 = vector.broadcast %mul3A_344 : f32 to vector<1024x512xf32>
    %mul3A_346 = arith.mulf %mul3A_345, %add3A_335 : vector<1024x512xf32>
    %sub3A_347 = arith.subf %add3A_343, %mul3A_346 : vector<1024x512xf32>
    %reduce_min3A_348 = arith.constant dense<0x7F800000> : vector<1024xf32>
    %reduce_min3A_349 = vector.multi_reduction <minimumf>, %sub3A_347, %reduce_min3A_348 [1] : vector<1024x512xf32> to vector<1024xf32>
    %broadcast_in_dim3A_350 = vector.shape_cast %reduce_min3A_349 : vector<1024xf32> to vector<1024x1xf32>
    %eq3A_351 = vector.broadcast %broadcast_in_dim3A_350 : vector<1024x1xf32> to vector<1024x512xf32>
    %eq3A_352 = arith.cmpf oeq, %sub3A_347, %eq3A_351 : vector<1024x512xf32>
    %jit3A_353 = arith.constant 1.000000e+09 : f32
    %broadcast_in_dim3A_354 = vector.broadcast %jit3A_353 : f32 to vector<1024x512xf32>
    %select_n3A_355 = arith.select %eq3A_352, %convert_element_type3A_6, %broadcast_in_dim3A_354 : vector<1024x512xi1>, vector<1024x512xf32>
    %reduce_min3A_356 = arith.constant dense<0x7F800000> : vector<1024xf32>
    %reduce_min3A_357 = vector.multi_reduction <minimumf>, %select_n3A_355, %reduce_min3A_356 [1] : vector<1024x512xf32> to vector<1024xf32>
    %add3A_358 = arith.constant 3.584000e+03 : f32
    %add3A_359 = vector.broadcast %add3A_358 : f32 to vector<1024xf32>
    %add3A_360 = arith.addf %reduce_min3A_357, %add3A_359 : vector<1024xf32>
    %lt3A_361 = arith.cmpf olt, %reduce_min3A_349, %select_n3A_325 : vector<1024xf32>
    %select_n3A_362 = arith.select %lt3A_361, %add3A_360, %select_n3A_324 : vector<1024xi1>, vector<1024xf32>
    %select_n3A_363 = arith.select %lt3A_361, %reduce_min3A_349, %select_n3A_325 : vector<1024xi1>, vector<1024xf32>
    %get3A_364 = arith.constant 4096 : index
    %get3A_365 = arith.constant 0 : index
    %get3A_366 = vector.load %arg3[%get3A_364, %get3A_365] : memref<8192x256xbf16, #tpu.memory_space<vmem>>, vector<512x256xbf16>
    %slice3A_367 = vector.extract_strided_slice %get3A_366 {offsets = [0, 0], sizes = [512, 128], strides = [1, 1]} : vector<512x256xbf16> to vector<512x128xbf16>
    %dot_general3A_368 = arith.constant dense<0.000000e+00> : vector<1024x512xf32>
    %dot_general3A_369 = tpu.matmul %slice3A, %slice3A_367, %dot_general3A_368 {dimension_numbers = #tpu.dot_dimension_numbers<[1], [1], [0], [0], [0, 0, 1, 0], [], []>, transpose_lhs_hint = false} : vector<1024x128xbf16>, vector<512x128xbf16>, vector<1024x512xf32> -> vector<1024x512xf32>
    %slice3A_370 = vector.extract_strided_slice %get3A_366 {offsets = [0, 128], sizes = [512, 128], strides = [1, 1]} : vector<512x256xbf16> to vector<512x128xbf16>
    %dot_general3A_371 = arith.constant dense<0.000000e+00> : vector<1024x512xf32>
    %dot_general3A_372 = tpu.matmul %slice3A_2, %slice3A_370, %dot_general3A_371 {dimension_numbers = #tpu.dot_dimension_numbers<[1], [1], [0], [0], [0, 0, 1, 0], [], []>, transpose_lhs_hint = false} : vector<1024x128xbf16>, vector<512x128xbf16>, vector<1024x512xf32> -> vector<1024x512xf32>
    %add3A_373 = arith.addf %dot_general3A_369, %dot_general3A_372 : vector<1024x512xf32>
    %get3A_374 = arith.constant 8 : index
    %get3A_375 = arith.constant 0 : index
    %get3A_376 = arith.constant 0 : index
    %get3A_377 = vector.load %arg4[%get3A_374, %get3A_375, %get3A_376] : memref<16x1x512xf32, #tpu.memory_space<vmem>>, vector<1x1x512xf32>
    %get3A_378 = vector.shape_cast %get3A_377 : vector<1x1x512xf32> to vector<1x512xf32>
    %add3A_379 = vector.broadcast %get3A_5 : vector<1024x1xf32> to vector<1024x512xf32>
    %add3A_380 = vector.broadcast %get3A_378 : vector<1x512xf32> to vector<1024x512xf32>
    %add3A_381 = arith.addf %add3A_379, %add3A_380 : vector<1024x512xf32>
    %mul3A_382 = arith.constant 2.000000e+00 : f32
    %mul3A_383 = vector.broadcast %mul3A_382 : f32 to vector<1024x512xf32>
    %mul3A_384 = arith.mulf %mul3A_383, %add3A_373 : vector<1024x512xf32>
    %sub3A_385 = arith.subf %add3A_381, %mul3A_384 : vector<1024x512xf32>
    %reduce_min3A_386 = arith.constant dense<0x7F800000> : vector<1024xf32>
    %reduce_min3A_387 = vector.multi_reduction <minimumf>, %sub3A_385, %reduce_min3A_386 [1] : vector<1024x512xf32> to vector<1024xf32>
    %broadcast_in_dim3A_388 = vector.shape_cast %reduce_min3A_387 : vector<1024xf32> to vector<1024x1xf32>
    %eq3A_389 = vector.broadcast %broadcast_in_dim3A_388 : vector<1024x1xf32> to vector<1024x512xf32>
    %eq3A_390 = arith.cmpf oeq, %sub3A_385, %eq3A_389 : vector<1024x512xf32>
    %jit3A_391 = arith.constant 1.000000e+09 : f32
    %broadcast_in_dim3A_392 = vector.broadcast %jit3A_391 : f32 to vector<1024x512xf32>
    %select_n3A_393 = arith.select %eq3A_390, %convert_element_type3A_6, %broadcast_in_dim3A_392 : vector<1024x512xi1>, vector<1024x512xf32>
    %reduce_min3A_394 = arith.constant dense<0x7F800000> : vector<1024xf32>
    %reduce_min3A_395 = vector.multi_reduction <minimumf>, %select_n3A_393, %reduce_min3A_394 [1] : vector<1024x512xf32> to vector<1024xf32>
    %add3A_396 = arith.constant 4.096000e+03 : f32
    %add3A_397 = vector.broadcast %add3A_396 : f32 to vector<1024xf32>
    %add3A_398 = arith.addf %reduce_min3A_395, %add3A_397 : vector<1024xf32>
    %lt3A_399 = arith.cmpf olt, %reduce_min3A_387, %select_n3A_363 : vector<1024xf32>
    %select_n3A_400 = arith.select %lt3A_399, %add3A_398, %select_n3A_362 : vector<1024xi1>, vector<1024xf32>
    %select_n3A_401 = arith.select %lt3A_399, %reduce_min3A_387, %select_n3A_363 : vector<1024xi1>, vector<1024xf32>
    %get3A_402 = arith.constant 4608 : index
    %get3A_403 = arith.constant 0 : index
    %get3A_404 = vector.load %arg3[%get3A_402, %get3A_403] : memref<8192x256xbf16, #tpu.memory_space<vmem>>, vector<512x256xbf16>
    %slice3A_405 = vector.extract_strided_slice %get3A_404 {offsets = [0, 0], sizes = [512, 128], strides = [1, 1]} : vector<512x256xbf16> to vector<512x128xbf16>
    %dot_general3A_406 = arith.constant dense<0.000000e+00> : vector<1024x512xf32>
    %dot_general3A_407 = tpu.matmul %slice3A, %slice3A_405, %dot_general3A_406 {dimension_numbers = #tpu.dot_dimension_numbers<[1], [1], [0], [0], [0, 0, 1, 0], [], []>, transpose_lhs_hint = false} : vector<1024x128xbf16>, vector<512x128xbf16>, vector<1024x512xf32> -> vector<1024x512xf32>
    %slice3A_408 = vector.extract_strided_slice %get3A_404 {offsets = [0, 128], sizes = [512, 128], strides = [1, 1]} : vector<512x256xbf16> to vector<512x128xbf16>
    %dot_general3A_409 = arith.constant dense<0.000000e+00> : vector<1024x512xf32>
    %dot_general3A_410 = tpu.matmul %slice3A_2, %slice3A_408, %dot_general3A_409 {dimension_numbers = #tpu.dot_dimension_numbers<[1], [1], [0], [0], [0, 0, 1, 0], [], []>, transpose_lhs_hint = false} : vector<1024x128xbf16>, vector<512x128xbf16>, vector<1024x512xf32> -> vector<1024x512xf32>
    %add3A_411 = arith.addf %dot_general3A_407, %dot_general3A_410 : vector<1024x512xf32>
    %get3A_412 = arith.constant 9 : index
    %get3A_413 = arith.constant 0 : index
    %get3A_414 = arith.constant 0 : index
    %get3A_415 = vector.load %arg4[%get3A_412, %get3A_413, %get3A_414] : memref<16x1x512xf32, #tpu.memory_space<vmem>>, vector<1x1x512xf32>
    %get3A_416 = vector.shape_cast %get3A_415 : vector<1x1x512xf32> to vector<1x512xf32>
    %add3A_417 = vector.broadcast %get3A_5 : vector<1024x1xf32> to vector<1024x512xf32>
    %add3A_418 = vector.broadcast %get3A_416 : vector<1x512xf32> to vector<1024x512xf32>
    %add3A_419 = arith.addf %add3A_417, %add3A_418 : vector<1024x512xf32>
    %mul3A_420 = arith.constant 2.000000e+00 : f32
    %mul3A_421 = vector.broadcast %mul3A_420 : f32 to vector<1024x512xf32>
    %mul3A_422 = arith.mulf %mul3A_421, %add3A_411 : vector<1024x512xf32>
    %sub3A_423 = arith.subf %add3A_419, %mul3A_422 : vector<1024x512xf32>
    %reduce_min3A_424 = arith.constant dense<0x7F800000> : vector<1024xf32>
    %reduce_min3A_425 = vector.multi_reduction <minimumf>, %sub3A_423, %reduce_min3A_424 [1] : vector<1024x512xf32> to vector<1024xf32>
    %broadcast_in_dim3A_426 = vector.shape_cast %reduce_min3A_425 : vector<1024xf32> to vector<1024x1xf32>
    %eq3A_427 = vector.broadcast %broadcast_in_dim3A_426 : vector<1024x1xf32> to vector<1024x512xf32>
    %eq3A_428 = arith.cmpf oeq, %sub3A_423, %eq3A_427 : vector<1024x512xf32>
    %jit3A_429 = arith.constant 1.000000e+09 : f32
    %broadcast_in_dim3A_430 = vector.broadcast %jit3A_429 : f32 to vector<1024x512xf32>
    %select_n3A_431 = arith.select %eq3A_428, %convert_element_type3A_6, %broadcast_in_dim3A_430 : vector<1024x512xi1>, vector<1024x512xf32>
    %reduce_min3A_432 = arith.constant dense<0x7F800000> : vector<1024xf32>
    %reduce_min3A_433 = vector.multi_reduction <minimumf>, %select_n3A_431, %reduce_min3A_432 [1] : vector<1024x512xf32> to vector<1024xf32>
    %add3A_434 = arith.constant 4.608000e+03 : f32
    %add3A_435 = vector.broadcast %add3A_434 : f32 to vector<1024xf32>
    %add3A_436 = arith.addf %reduce_min3A_433, %add3A_435 : vector<1024xf32>
    %lt3A_437 = arith.cmpf olt, %reduce_min3A_425, %select_n3A_401 : vector<1024xf32>
    %select_n3A_438 = arith.select %lt3A_437, %add3A_436, %select_n3A_400 : vector<1024xi1>, vector<1024xf32>
    %select_n3A_439 = arith.select %lt3A_437, %reduce_min3A_425, %select_n3A_401 : vector<1024xi1>, vector<1024xf32>
    %get3A_440 = arith.constant 5120 : index
    %get3A_441 = arith.constant 0 : index
    %get3A_442 = vector.load %arg3[%get3A_440, %get3A_441] : memref<8192x256xbf16, #tpu.memory_space<vmem>>, vector<512x256xbf16>
    %slice3A_443 = vector.extract_strided_slice %get3A_442 {offsets = [0, 0], sizes = [512, 128], strides = [1, 1]} : vector<512x256xbf16> to vector<512x128xbf16>
    %dot_general3A_444 = arith.constant dense<0.000000e+00> : vector<1024x512xf32>
    %dot_general3A_445 = tpu.matmul %slice3A, %slice3A_443, %dot_general3A_444 {dimension_numbers = #tpu.dot_dimension_numbers<[1], [1], [0], [0], [0, 0, 1, 0], [], []>, transpose_lhs_hint = false} : vector<1024x128xbf16>, vector<512x128xbf16>, vector<1024x512xf32> -> vector<1024x512xf32>
    %slice3A_446 = vector.extract_strided_slice %get3A_442 {offsets = [0, 128], sizes = [512, 128], strides = [1, 1]} : vector<512x256xbf16> to vector<512x128xbf16>
    %dot_general3A_447 = arith.constant dense<0.000000e+00> : vector<1024x512xf32>
    %dot_general3A_448 = tpu.matmul %slice3A_2, %slice3A_446, %dot_general3A_447 {dimension_numbers = #tpu.dot_dimension_numbers<[1], [1], [0], [0], [0, 0, 1, 0], [], []>, transpose_lhs_hint = false} : vector<1024x128xbf16>, vector<512x128xbf16>, vector<1024x512xf32> -> vector<1024x512xf32>
    %add3A_449 = arith.addf %dot_general3A_445, %dot_general3A_448 : vector<1024x512xf32>
    %get3A_450 = arith.constant 10 : index
    %get3A_451 = arith.constant 0 : index
    %get3A_452 = arith.constant 0 : index
    %get3A_453 = vector.load %arg4[%get3A_450, %get3A_451, %get3A_452] : memref<16x1x512xf32, #tpu.memory_space<vmem>>, vector<1x1x512xf32>
    %get3A_454 = vector.shape_cast %get3A_453 : vector<1x1x512xf32> to vector<1x512xf32>
    %add3A_455 = vector.broadcast %get3A_5 : vector<1024x1xf32> to vector<1024x512xf32>
    %add3A_456 = vector.broadcast %get3A_454 : vector<1x512xf32> to vector<1024x512xf32>
    %add3A_457 = arith.addf %add3A_455, %add3A_456 : vector<1024x512xf32>
    %mul3A_458 = arith.constant 2.000000e+00 : f32
    %mul3A_459 = vector.broadcast %mul3A_458 : f32 to vector<1024x512xf32>
    %mul3A_460 = arith.mulf %mul3A_459, %add3A_449 : vector<1024x512xf32>
    %sub3A_461 = arith.subf %add3A_457, %mul3A_460 : vector<1024x512xf32>
    %iota3A_462 = tpu.iota {dimensions = array<i32: 1>} : vector<1024x512xi32>
    %add3A_463 = arith.constant 5120 : i32
    %add3A_464 = vector.broadcast %add3A_463 : i32 to vector<1024x512xi32>
    %add3A_465 = arith.addi %iota3A_462, %add3A_464 : vector<1024x512xi32>
    %ge3A_466 = arith.constant 2736 : i32
    %ge3A_467 = vector.broadcast %ge3A_466 : i32 to vector<1024x512xi32>
    %ge3A_468 = arith.cmpi sge, %add3A_465, %ge3A_467 : vector<1024x512xi32>
    %lt3A_469 = arith.constant 5472 : i32
    %lt3A_470 = vector.broadcast %lt3A_469 : i32 to vector<1024x512xi32>
    %lt3A_471 = arith.cmpi slt, %add3A_465, %lt3A_470 : vector<1024x512xi32>
    %and3A_472 = arith.andi %ge3A_468, %lt3A_471 : vector<1024x512xi1>
    %jit3A_473 = arith.constant 0x7F800000 : f32
    %broadcast_in_dim3A_474 = vector.broadcast %jit3A_473 : f32 to vector<1024x512xf32>
    %select_n3A_475 = arith.select %and3A_472, %sub3A_461, %broadcast_in_dim3A_474 : vector<1024x512xi1>, vector<1024x512xf32>
    %reduce_min3A_476 = arith.constant dense<0x7F800000> : vector<1024xf32>
    %reduce_min3A_477 = vector.multi_reduction <minimumf>, %select_n3A_475, %reduce_min3A_476 [1] : vector<1024x512xf32> to vector<1024xf32>
    %broadcast_in_dim3A_478 = vector.shape_cast %reduce_min3A_477 : vector<1024xf32> to vector<1024x1xf32>
    %eq3A_479 = vector.broadcast %broadcast_in_dim3A_478 : vector<1024x1xf32> to vector<1024x512xf32>
    %eq3A_480 = arith.cmpf oeq, %select_n3A_475, %eq3A_479 : vector<1024x512xf32>
    %jit3A_481 = arith.constant 1.000000e+09 : f32
    %broadcast_in_dim3A_482 = vector.broadcast %jit3A_481 : f32 to vector<1024x512xf32>
    %select_n3A_483 = arith.select %eq3A_480, %convert_element_type3A_6, %broadcast_in_dim3A_482 : vector<1024x512xi1>, vector<1024x512xf32>
    %reduce_min3A_484 = arith.constant dense<0x7F800000> : vector<1024xf32>
    %reduce_min3A_485 = vector.multi_reduction <minimumf>, %select_n3A_483, %reduce_min3A_484 [1] : vector<1024x512xf32> to vector<1024xf32>
    %add3A_486 = arith.constant 5.120000e+03 : f32
    %add3A_487 = vector.broadcast %add3A_486 : f32 to vector<1024xf32>
    %add3A_488 = arith.addf %reduce_min3A_485, %add3A_487 : vector<1024xf32>
    %lt3A_489 = arith.cmpf olt, %reduce_min3A_477, %select_n3A_439 : vector<1024xf32>
    %select_n3A_490 = arith.select %lt3A_489, %add3A_488, %select_n3A_438 : vector<1024xi1>, vector<1024xf32>
    %select_n3A_491 = arith.select %lt3A_489, %reduce_min3A_477, %select_n3A_439 : vector<1024xi1>, vector<1024xf32>
    %convert_element_type3A_492 = arith.fptosi %select_n3A_490 : vector<1024xf32> to vector<1024xi32>
    %lt3A_493 = arith.cmpf olt, %select_n3A_491, %convert_element_type3A_253 : vector<1024xf32>
    %eq3A_494 = arith.cmpf oeq, %select_n3A_491, %convert_element_type3A_253 : vector<1024xf32>
    %lt3A_495 = arith.cmpi slt, %convert_element_type3A_492, %select_n3A_250 : vector<1024xi32>
    %and3A_496 = arith.andi %eq3A_494, %lt3A_495 : vector<1024xi1>
    %or3A_497 = arith.ori %lt3A_493, %and3A_496 : vector<1024xi1>
    %select_n3A_498 = arith.select %or3A_497, %convert_element_type3A_492, %select_n3A_250 : vector<1024xi1>, vector<1024xi32>
    %select_n3A_499 = arith.select %or3A_497, %select_n3A_491, %convert_element_type3A_253 : vector<1024xi1>, vector<1024xf32>
    %convert_element_type3A_500 = arith.truncf %select_n3A_499 : vector<1024xf32> to vector<1024xbf16>
    %convert_element_type3A_501 = arith.extf %convert_element_type3A_500 : vector<1024xbf16> to vector<1024xf32>
    %broadcast_in_dim3A_502 = arith.constant 0x7F800000 : f32
    %broadcast_in_dim3A_503 = vector.broadcast %broadcast_in_dim3A_502 : f32 to vector<1024xf32>
    %broadcast_in_dim3A_504 = arith.constant 0.000000e+00 : f32
    %broadcast_in_dim3A_505 = vector.broadcast %broadcast_in_dim3A_504 : f32 to vector<1024xf32>
    %iota3A_506 = tpu.iota {dimensions = array<i32: 1>} : vector<1024x512xi32>
    %add3A_507 = arith.constant 5120 : i32
    %add3A_508 = vector.broadcast %add3A_507 : i32 to vector<1024x512xi32>
    %add3A_509 = arith.addi %iota3A_506, %add3A_508 : vector<1024x512xi32>
    %ge3A_510 = arith.constant 5472 : i32
    %ge3A_511 = vector.broadcast %ge3A_510 : i32 to vector<1024x512xi32>
    %ge3A_512 = arith.cmpi sge, %add3A_509, %ge3A_511 : vector<1024x512xi32>
    %lt3A_513 = arith.constant 8192 : i32
    %lt3A_514 = vector.broadcast %lt3A_513 : i32 to vector<1024x512xi32>
    %lt3A_515 = arith.cmpi slt, %add3A_509, %lt3A_514 : vector<1024x512xi32>
    %and3A_516 = arith.andi %ge3A_512, %lt3A_515 : vector<1024x512xi1>
    %jit3A_517 = arith.constant 0x7F800000 : f32
    %broadcast_in_dim3A_518 = vector.broadcast %jit3A_517 : f32 to vector<1024x512xf32>
    %select_n3A_519 = arith.select %and3A_516, %sub3A_461, %broadcast_in_dim3A_518 : vector<1024x512xi1>, vector<1024x512xf32>
    %reduce_min3A_520 = arith.constant dense<0x7F800000> : vector<1024xf32>
    %reduce_min3A_521 = vector.multi_reduction <minimumf>, %select_n3A_519, %reduce_min3A_520 [1] : vector<1024x512xf32> to vector<1024xf32>
    %broadcast_in_dim3A_522 = vector.shape_cast %reduce_min3A_521 : vector<1024xf32> to vector<1024x1xf32>
    %eq3A_523 = vector.broadcast %broadcast_in_dim3A_522 : vector<1024x1xf32> to vector<1024x512xf32>
    %eq3A_524 = arith.cmpf oeq, %select_n3A_519, %eq3A_523 : vector<1024x512xf32>
    %jit3A_525 = arith.constant 1.000000e+09 : f32
    %broadcast_in_dim3A_526 = vector.broadcast %jit3A_525 : f32 to vector<1024x512xf32>
    %select_n3A_527 = arith.select %eq3A_524, %convert_element_type3A_6, %broadcast_in_dim3A_526 : vector<1024x512xi1>, vector<1024x512xf32>
    %reduce_min3A_528 = arith.constant dense<0x7F800000> : vector<1024xf32>
    %reduce_min3A_529 = vector.multi_reduction <minimumf>, %select_n3A_527, %reduce_min3A_528 [1] : vector<1024x512xf32> to vector<1024xf32>
    %add3A_530 = arith.constant 5.120000e+03 : f32
    %add3A_531 = vector.broadcast %add3A_530 : f32 to vector<1024xf32>
    %add3A_532 = arith.addf %reduce_min3A_529, %add3A_531 : vector<1024xf32>
    %lt3A_533 = arith.cmpf olt, %reduce_min3A_521, %broadcast_in_dim3A_503 : vector<1024xf32>
    %select_n3A_534 = arith.select %lt3A_533, %add3A_532, %broadcast_in_dim3A_505 : vector<1024xi1>, vector<1024xf32>
    %select_n3A_535 = arith.select %lt3A_533, %reduce_min3A_521, %broadcast_in_dim3A_503 : vector<1024xi1>, vector<1024xf32>
    %get3A_536 = arith.constant 5632 : index
    %get3A_537 = arith.constant 0 : index
    %get3A_538 = vector.load %arg3[%get3A_536, %get3A_537] : memref<8192x256xbf16, #tpu.memory_space<vmem>>, vector<512x256xbf16>
    %slice3A_539 = vector.extract_strided_slice %get3A_538 {offsets = [0, 0], sizes = [512, 128], strides = [1, 1]} : vector<512x256xbf16> to vector<512x128xbf16>
    %dot_general3A_540 = arith.constant dense<0.000000e+00> : vector<1024x512xf32>
    %dot_general3A_541 = tpu.matmul %slice3A, %slice3A_539, %dot_general3A_540 {dimension_numbers = #tpu.dot_dimension_numbers<[1], [1], [0], [0], [0, 0, 1, 0], [], []>, transpose_lhs_hint = false} : vector<1024x128xbf16>, vector<512x128xbf16>, vector<1024x512xf32> -> vector<1024x512xf32>
    %slice3A_542 = vector.extract_strided_slice %get3A_538 {offsets = [0, 128], sizes = [512, 128], strides = [1, 1]} : vector<512x256xbf16> to vector<512x128xbf16>
    %dot_general3A_543 = arith.constant dense<0.000000e+00> : vector<1024x512xf32>
    %dot_general3A_544 = tpu.matmul %slice3A_2, %slice3A_542, %dot_general3A_543 {dimension_numbers = #tpu.dot_dimension_numbers<[1], [1], [0], [0], [0, 0, 1, 0], [], []>, transpose_lhs_hint = false} : vector<1024x128xbf16>, vector<512x128xbf16>, vector<1024x512xf32> -> vector<1024x512xf32>
    %add3A_545 = arith.addf %dot_general3A_541, %dot_general3A_544 : vector<1024x512xf32>
    %get3A_546 = arith.constant 11 : index
    %get3A_547 = arith.constant 0 : index
    %get3A_548 = arith.constant 0 : index
    %get3A_549 = vector.load %arg4[%get3A_546, %get3A_547, %get3A_548] : memref<16x1x512xf32, #tpu.memory_space<vmem>>, vector<1x1x512xf32>
    %get3A_550 = vector.shape_cast %get3A_549 : vector<1x1x512xf32> to vector<1x512xf32>
    %add3A_551 = vector.broadcast %get3A_5 : vector<1024x1xf32> to vector<1024x512xf32>
    %add3A_552 = vector.broadcast %get3A_550 : vector<1x512xf32> to vector<1024x512xf32>
    %add3A_553 = arith.addf %add3A_551, %add3A_552 : vector<1024x512xf32>
    %mul3A_554 = arith.constant 2.000000e+00 : f32
    %mul3A_555 = vector.broadcast %mul3A_554 : f32 to vector<1024x512xf32>
    %mul3A_556 = arith.mulf %mul3A_555, %add3A_545 : vector<1024x512xf32>
    %sub3A_557 = arith.subf %add3A_553, %mul3A_556 : vector<1024x512xf32>
    %reduce_min3A_558 = arith.constant dense<0x7F800000> : vector<1024xf32>
    %reduce_min3A_559 = vector.multi_reduction <minimumf>, %sub3A_557, %reduce_min3A_558 [1] : vector<1024x512xf32> to vector<1024xf32>
    %broadcast_in_dim3A_560 = vector.shape_cast %reduce_min3A_559 : vector<1024xf32> to vector<1024x1xf32>
    %eq3A_561 = vector.broadcast %broadcast_in_dim3A_560 : vector<1024x1xf32> to vector<1024x512xf32>
    %eq3A_562 = arith.cmpf oeq, %sub3A_557, %eq3A_561 : vector<1024x512xf32>
    %jit3A_563 = arith.constant 1.000000e+09 : f32
    %broadcast_in_dim3A_564 = vector.broadcast %jit3A_563 : f32 to vector<1024x512xf32>
    %select_n3A_565 = arith.select %eq3A_562, %convert_element_type3A_6, %broadcast_in_dim3A_564 : vector<1024x512xi1>, vector<1024x512xf32>
    %reduce_min3A_566 = arith.constant dense<0x7F800000> : vector<1024xf32>
    %reduce_min3A_567 = vector.multi_reduction <minimumf>, %select_n3A_565, %reduce_min3A_566 [1] : vector<1024x512xf32> to vector<1024xf32>
    %add3A_568 = arith.constant 5.632000e+03 : f32
    %add3A_569 = vector.broadcast %add3A_568 : f32 to vector<1024xf32>
    %add3A_570 = arith.addf %reduce_min3A_567, %add3A_569 : vector<1024xf32>
    %lt3A_571 = arith.cmpf olt, %reduce_min3A_559, %select_n3A_535 : vector<1024xf32>
    %select_n3A_572 = arith.select %lt3A_571, %add3A_570, %select_n3A_534 : vector<1024xi1>, vector<1024xf32>
    %select_n3A_573 = arith.select %lt3A_571, %reduce_min3A_559, %select_n3A_535 : vector<1024xi1>, vector<1024xf32>
    %get3A_574 = arith.constant 6144 : index
    %get3A_575 = arith.constant 0 : index
    %get3A_576 = vector.load %arg3[%get3A_574, %get3A_575] : memref<8192x256xbf16, #tpu.memory_space<vmem>>, vector<512x256xbf16>
    %slice3A_577 = vector.extract_strided_slice %get3A_576 {offsets = [0, 0], sizes = [512, 128], strides = [1, 1]} : vector<512x256xbf16> to vector<512x128xbf16>
    %dot_general3A_578 = arith.constant dense<0.000000e+00> : vector<1024x512xf32>
    %dot_general3A_579 = tpu.matmul %slice3A, %slice3A_577, %dot_general3A_578 {dimension_numbers = #tpu.dot_dimension_numbers<[1], [1], [0], [0], [0, 0, 1, 0], [], []>, transpose_lhs_hint = false} : vector<1024x128xbf16>, vector<512x128xbf16>, vector<1024x512xf32> -> vector<1024x512xf32>
    %slice3A_580 = vector.extract_strided_slice %get3A_576 {offsets = [0, 128], sizes = [512, 128], strides = [1, 1]} : vector<512x256xbf16> to vector<512x128xbf16>
    %dot_general3A_581 = arith.constant dense<0.000000e+00> : vector<1024x512xf32>
    %dot_general3A_582 = tpu.matmul %slice3A_2, %slice3A_580, %dot_general3A_581 {dimension_numbers = #tpu.dot_dimension_numbers<[1], [1], [0], [0], [0, 0, 1, 0], [], []>, transpose_lhs_hint = false} : vector<1024x128xbf16>, vector<512x128xbf16>, vector<1024x512xf32> -> vector<1024x512xf32>
    %add3A_583 = arith.addf %dot_general3A_579, %dot_general3A_582 : vector<1024x512xf32>
    %get3A_584 = arith.constant 12 : index
    %get3A_585 = arith.constant 0 : index
    %get3A_586 = arith.constant 0 : index
    %get3A_587 = vector.load %arg4[%get3A_584, %get3A_585, %get3A_586] : memref<16x1x512xf32, #tpu.memory_space<vmem>>, vector<1x1x512xf32>
    %get3A_588 = vector.shape_cast %get3A_587 : vector<1x1x512xf32> to vector<1x512xf32>
    %add3A_589 = vector.broadcast %get3A_5 : vector<1024x1xf32> to vector<1024x512xf32>
    %add3A_590 = vector.broadcast %get3A_588 : vector<1x512xf32> to vector<1024x512xf32>
    %add3A_591 = arith.addf %add3A_589, %add3A_590 : vector<1024x512xf32>
    %mul3A_592 = arith.constant 2.000000e+00 : f32
    %mul3A_593 = vector.broadcast %mul3A_592 : f32 to vector<1024x512xf32>
    %mul3A_594 = arith.mulf %mul3A_593, %add3A_583 : vector<1024x512xf32>
    %sub3A_595 = arith.subf %add3A_591, %mul3A_594 : vector<1024x512xf32>
    %reduce_min3A_596 = arith.constant dense<0x7F800000> : vector<1024xf32>
    %reduce_min3A_597 = vector.multi_reduction <minimumf>, %sub3A_595, %reduce_min3A_596 [1] : vector<1024x512xf32> to vector<1024xf32>
    %broadcast_in_dim3A_598 = vector.shape_cast %reduce_min3A_597 : vector<1024xf32> to vector<1024x1xf32>
    %eq3A_599 = vector.broadcast %broadcast_in_dim3A_598 : vector<1024x1xf32> to vector<1024x512xf32>
    %eq3A_600 = arith.cmpf oeq, %sub3A_595, %eq3A_599 : vector<1024x512xf32>
    %jit3A_601 = arith.constant 1.000000e+09 : f32
    %broadcast_in_dim3A_602 = vector.broadcast %jit3A_601 : f32 to vector<1024x512xf32>
    %select_n3A_603 = arith.select %eq3A_600, %convert_element_type3A_6, %broadcast_in_dim3A_602 : vector<1024x512xi1>, vector<1024x512xf32>
    %reduce_min3A_604 = arith.constant dense<0x7F800000> : vector<1024xf32>
    %reduce_min3A_605 = vector.multi_reduction <minimumf>, %select_n3A_603, %reduce_min3A_604 [1] : vector<1024x512xf32> to vector<1024xf32>
    %add3A_606 = arith.constant 6.144000e+03 : f32
    %add3A_607 = vector.broadcast %add3A_606 : f32 to vector<1024xf32>
    %add3A_608 = arith.addf %reduce_min3A_605, %add3A_607 : vector<1024xf32>
    %lt3A_609 = arith.cmpf olt, %reduce_min3A_597, %select_n3A_573 : vector<1024xf32>
    %select_n3A_610 = arith.select %lt3A_609, %add3A_608, %select_n3A_572 : vector<1024xi1>, vector<1024xf32>
    %select_n3A_611 = arith.select %lt3A_609, %reduce_min3A_597, %select_n3A_573 : vector<1024xi1>, vector<1024xf32>
    %get3A_612 = arith.constant 6656 : index
    %get3A_613 = arith.constant 0 : index
    %get3A_614 = vector.load %arg3[%get3A_612, %get3A_613] : memref<8192x256xbf16, #tpu.memory_space<vmem>>, vector<512x256xbf16>
    %slice3A_615 = vector.extract_strided_slice %get3A_614 {offsets = [0, 0], sizes = [512, 128], strides = [1, 1]} : vector<512x256xbf16> to vector<512x128xbf16>
    %dot_general3A_616 = arith.constant dense<0.000000e+00> : vector<1024x512xf32>
    %dot_general3A_617 = tpu.matmul %slice3A, %slice3A_615, %dot_general3A_616 {dimension_numbers = #tpu.dot_dimension_numbers<[1], [1], [0], [0], [0, 0, 1, 0], [], []>, transpose_lhs_hint = false} : vector<1024x128xbf16>, vector<512x128xbf16>, vector<1024x512xf32> -> vector<1024x512xf32>
    %slice3A_618 = vector.extract_strided_slice %get3A_614 {offsets = [0, 128], sizes = [512, 128], strides = [1, 1]} : vector<512x256xbf16> to vector<512x128xbf16>
    %dot_general3A_619 = arith.constant dense<0.000000e+00> : vector<1024x512xf32>
    %dot_general3A_620 = tpu.matmul %slice3A_2, %slice3A_618, %dot_general3A_619 {dimension_numbers = #tpu.dot_dimension_numbers<[1], [1], [0], [0], [0, 0, 1, 0], [], []>, transpose_lhs_hint = false} : vector<1024x128xbf16>, vector<512x128xbf16>, vector<1024x512xf32> -> vector<1024x512xf32>
    %add3A_621 = arith.addf %dot_general3A_617, %dot_general3A_620 : vector<1024x512xf32>
    %get3A_622 = arith.constant 13 : index
    %get3A_623 = arith.constant 0 : index
    %get3A_624 = arith.constant 0 : index
    %get3A_625 = vector.load %arg4[%get3A_622, %get3A_623, %get3A_624] : memref<16x1x512xf32, #tpu.memory_space<vmem>>, vector<1x1x512xf32>
    %get3A_626 = vector.shape_cast %get3A_625 : vector<1x1x512xf32> to vector<1x512xf32>
    %add3A_627 = vector.broadcast %get3A_5 : vector<1024x1xf32> to vector<1024x512xf32>
    %add3A_628 = vector.broadcast %get3A_626 : vector<1x512xf32> to vector<1024x512xf32>
    %add3A_629 = arith.addf %add3A_627, %add3A_628 : vector<1024x512xf32>
    %mul3A_630 = arith.constant 2.000000e+00 : f32
    %mul3A_631 = vector.broadcast %mul3A_630 : f32 to vector<1024x512xf32>
    %mul3A_632 = arith.mulf %mul3A_631, %add3A_621 : vector<1024x512xf32>
    %sub3A_633 = arith.subf %add3A_629, %mul3A_632 : vector<1024x512xf32>
    %reduce_min3A_634 = arith.constant dense<0x7F800000> : vector<1024xf32>
    %reduce_min3A_635 = vector.multi_reduction <minimumf>, %sub3A_633, %reduce_min3A_634 [1] : vector<1024x512xf32> to vector<1024xf32>
    %broadcast_in_dim3A_636 = vector.shape_cast %reduce_min3A_635 : vector<1024xf32> to vector<1024x1xf32>
    %eq3A_637 = vector.broadcast %broadcast_in_dim3A_636 : vector<1024x1xf32> to vector<1024x512xf32>
    %eq3A_638 = arith.cmpf oeq, %sub3A_633, %eq3A_637 : vector<1024x512xf32>
    %jit3A_639 = arith.constant 1.000000e+09 : f32
    %broadcast_in_dim3A_640 = vector.broadcast %jit3A_639 : f32 to vector<1024x512xf32>
    %select_n3A_641 = arith.select %eq3A_638, %convert_element_type3A_6, %broadcast_in_dim3A_640 : vector<1024x512xi1>, vector<1024x512xf32>
    %reduce_min3A_642 = arith.constant dense<0x7F800000> : vector<1024xf32>
    %reduce_min3A_643 = vector.multi_reduction <minimumf>, %select_n3A_641, %reduce_min3A_642 [1] : vector<1024x512xf32> to vector<1024xf32>
    %add3A_644 = arith.constant 6.656000e+03 : f32
    %add3A_645 = vector.broadcast %add3A_644 : f32 to vector<1024xf32>
    %add3A_646 = arith.addf %reduce_min3A_643, %add3A_645 : vector<1024xf32>
    %lt3A_647 = arith.cmpf olt, %reduce_min3A_635, %select_n3A_611 : vector<1024xf32>
    %select_n3A_648 = arith.select %lt3A_647, %add3A_646, %select_n3A_610 : vector<1024xi1>, vector<1024xf32>
    %select_n3A_649 = arith.select %lt3A_647, %reduce_min3A_635, %select_n3A_611 : vector<1024xi1>, vector<1024xf32>
    %get3A_650 = arith.constant 7168 : index
    %get3A_651 = arith.constant 0 : index
    %get3A_652 = vector.load %arg3[%get3A_650, %get3A_651] : memref<8192x256xbf16, #tpu.memory_space<vmem>>, vector<512x256xbf16>
    %slice3A_653 = vector.extract_strided_slice %get3A_652 {offsets = [0, 0], sizes = [512, 128], strides = [1, 1]} : vector<512x256xbf16> to vector<512x128xbf16>
    %dot_general3A_654 = arith.constant dense<0.000000e+00> : vector<1024x512xf32>
    %dot_general3A_655 = tpu.matmul %slice3A, %slice3A_653, %dot_general3A_654 {dimension_numbers = #tpu.dot_dimension_numbers<[1], [1], [0], [0], [0, 0, 1, 0], [], []>, transpose_lhs_hint = false} : vector<1024x128xbf16>, vector<512x128xbf16>, vector<1024x512xf32> -> vector<1024x512xf32>
    %slice3A_656 = vector.extract_strided_slice %get3A_652 {offsets = [0, 128], sizes = [512, 128], strides = [1, 1]} : vector<512x256xbf16> to vector<512x128xbf16>
    %dot_general3A_657 = arith.constant dense<0.000000e+00> : vector<1024x512xf32>
    %dot_general3A_658 = tpu.matmul %slice3A_2, %slice3A_656, %dot_general3A_657 {dimension_numbers = #tpu.dot_dimension_numbers<[1], [1], [0], [0], [0, 0, 1, 0], [], []>, transpose_lhs_hint = false} : vector<1024x128xbf16>, vector<512x128xbf16>, vector<1024x512xf32> -> vector<1024x512xf32>
    %add3A_659 = arith.addf %dot_general3A_655, %dot_general3A_658 : vector<1024x512xf32>
    %get3A_660 = arith.constant 14 : index
    %get3A_661 = arith.constant 0 : index
    %get3A_662 = arith.constant 0 : index
    %get3A_663 = vector.load %arg4[%get3A_660, %get3A_661, %get3A_662] : memref<16x1x512xf32, #tpu.memory_space<vmem>>, vector<1x1x512xf32>
    %get3A_664 = vector.shape_cast %get3A_663 : vector<1x1x512xf32> to vector<1x512xf32>
    %add3A_665 = vector.broadcast %get3A_5 : vector<1024x1xf32> to vector<1024x512xf32>
    %add3A_666 = vector.broadcast %get3A_664 : vector<1x512xf32> to vector<1024x512xf32>
    %add3A_667 = arith.addf %add3A_665, %add3A_666 : vector<1024x512xf32>
    %mul3A_668 = arith.constant 2.000000e+00 : f32
    %mul3A_669 = vector.broadcast %mul3A_668 : f32 to vector<1024x512xf32>
    %mul3A_670 = arith.mulf %mul3A_669, %add3A_659 : vector<1024x512xf32>
    %sub3A_671 = arith.subf %add3A_667, %mul3A_670 : vector<1024x512xf32>
    %reduce_min3A_672 = arith.constant dense<0x7F800000> : vector<1024xf32>
    %reduce_min3A_673 = vector.multi_reduction <minimumf>, %sub3A_671, %reduce_min3A_672 [1] : vector<1024x512xf32> to vector<1024xf32>
    %broadcast_in_dim3A_674 = vector.shape_cast %reduce_min3A_673 : vector<1024xf32> to vector<1024x1xf32>
    %eq3A_675 = vector.broadcast %broadcast_in_dim3A_674 : vector<1024x1xf32> to vector<1024x512xf32>
    %eq3A_676 = arith.cmpf oeq, %sub3A_671, %eq3A_675 : vector<1024x512xf32>
    %jit3A_677 = arith.constant 1.000000e+09 : f32
    %broadcast_in_dim3A_678 = vector.broadcast %jit3A_677 : f32 to vector<1024x512xf32>
    %select_n3A_679 = arith.select %eq3A_676, %convert_element_type3A_6, %broadcast_in_dim3A_678 : vector<1024x512xi1>, vector<1024x512xf32>
    %reduce_min3A_680 = arith.constant dense<0x7F800000> : vector<1024xf32>
    %reduce_min3A_681 = vector.multi_reduction <minimumf>, %select_n3A_679, %reduce_min3A_680 [1] : vector<1024x512xf32> to vector<1024xf32>
    %add3A_682 = arith.constant 7.168000e+03 : f32
    %add3A_683 = vector.broadcast %add3A_682 : f32 to vector<1024xf32>
    %add3A_684 = arith.addf %reduce_min3A_681, %add3A_683 : vector<1024xf32>
    %lt3A_685 = arith.cmpf olt, %reduce_min3A_673, %select_n3A_649 : vector<1024xf32>
    %select_n3A_686 = arith.select %lt3A_685, %add3A_684, %select_n3A_648 : vector<1024xi1>, vector<1024xf32>
    %select_n3A_687 = arith.select %lt3A_685, %reduce_min3A_673, %select_n3A_649 : vector<1024xi1>, vector<1024xf32>
    %get3A_688 = arith.constant 7680 : index
    %get3A_689 = arith.constant 0 : index
    %get3A_690 = vector.load %arg3[%get3A_688, %get3A_689] : memref<8192x256xbf16, #tpu.memory_space<vmem>>, vector<512x256xbf16>
    %slice3A_691 = vector.extract_strided_slice %get3A_690 {offsets = [0, 0], sizes = [512, 128], strides = [1, 1]} : vector<512x256xbf16> to vector<512x128xbf16>
    %dot_general3A_692 = arith.constant dense<0.000000e+00> : vector<1024x512xf32>
    %dot_general3A_693 = tpu.matmul %slice3A, %slice3A_691, %dot_general3A_692 {dimension_numbers = #tpu.dot_dimension_numbers<[1], [1], [0], [0], [0, 0, 1, 0], [], []>, transpose_lhs_hint = false} : vector<1024x128xbf16>, vector<512x128xbf16>, vector<1024x512xf32> -> vector<1024x512xf32>
    %slice3A_694 = vector.extract_strided_slice %get3A_690 {offsets = [0, 128], sizes = [512, 128], strides = [1, 1]} : vector<512x256xbf16> to vector<512x128xbf16>
    %dot_general3A_695 = arith.constant dense<0.000000e+00> : vector<1024x512xf32>
    %dot_general3A_696 = tpu.matmul %slice3A_2, %slice3A_694, %dot_general3A_695 {dimension_numbers = #tpu.dot_dimension_numbers<[1], [1], [0], [0], [0, 0, 1, 0], [], []>, transpose_lhs_hint = false} : vector<1024x128xbf16>, vector<512x128xbf16>, vector<1024x512xf32> -> vector<1024x512xf32>
    %add3A_697 = arith.addf %dot_general3A_693, %dot_general3A_696 : vector<1024x512xf32>
    %get3A_698 = arith.constant 15 : index
    %get3A_699 = arith.constant 0 : index
    %get3A_700 = arith.constant 0 : index
    %get3A_701 = vector.load %arg4[%get3A_698, %get3A_699, %get3A_700] : memref<16x1x512xf32, #tpu.memory_space<vmem>>, vector<1x1x512xf32>
    %get3A_702 = vector.shape_cast %get3A_701 : vector<1x1x512xf32> to vector<1x512xf32>
    %add3A_703 = vector.broadcast %get3A_5 : vector<1024x1xf32> to vector<1024x512xf32>
    %add3A_704 = vector.broadcast %get3A_702 : vector<1x512xf32> to vector<1024x512xf32>
    %add3A_705 = arith.addf %add3A_703, %add3A_704 : vector<1024x512xf32>
    %mul3A_706 = arith.constant 2.000000e+00 : f32
    %mul3A_707 = vector.broadcast %mul3A_706 : f32 to vector<1024x512xf32>
    %mul3A_708 = arith.mulf %mul3A_707, %add3A_697 : vector<1024x512xf32>
    %sub3A_709 = arith.subf %add3A_705, %mul3A_708 : vector<1024x512xf32>
    %reduce_min3A_710 = arith.constant dense<0x7F800000> : vector<1024xf32>
    %reduce_min3A_711 = vector.multi_reduction <minimumf>, %sub3A_709, %reduce_min3A_710 [1] : vector<1024x512xf32> to vector<1024xf32>
    %broadcast_in_dim3A_712 = vector.shape_cast %reduce_min3A_711 : vector<1024xf32> to vector<1024x1xf32>
    %eq3A_713 = vector.broadcast %broadcast_in_dim3A_712 : vector<1024x1xf32> to vector<1024x512xf32>
    %eq3A_714 = arith.cmpf oeq, %sub3A_709, %eq3A_713 : vector<1024x512xf32>
    %jit3A_715 = arith.constant 1.000000e+09 : f32
    %broadcast_in_dim3A_716 = vector.broadcast %jit3A_715 : f32 to vector<1024x512xf32>
    %select_n3A_717 = arith.select %eq3A_714, %convert_element_type3A_6, %broadcast_in_dim3A_716 : vector<1024x512xi1>, vector<1024x512xf32>
    %reduce_min3A_718 = arith.constant dense<0x7F800000> : vector<1024xf32>
    %reduce_min3A_719 = vector.multi_reduction <minimumf>, %select_n3A_717, %reduce_min3A_718 [1] : vector<1024x512xf32> to vector<1024xf32>
    %add3A_720 = arith.constant 7.680000e+03 : f32
    %add3A_721 = vector.broadcast %add3A_720 : f32 to vector<1024xf32>
    %add3A_722 = arith.addf %reduce_min3A_719, %add3A_721 : vector<1024xf32>
    %lt3A_723 = arith.cmpf olt, %reduce_min3A_711, %select_n3A_687 : vector<1024xf32>
    %select_n3A_724 = arith.select %lt3A_723, %add3A_722, %select_n3A_686 : vector<1024xi1>, vector<1024xf32>
    %select_n3A_725 = arith.select %lt3A_723, %reduce_min3A_711, %select_n3A_687 : vector<1024xi1>, vector<1024xf32>
    %convert_element_type3A_726 = arith.fptosi %select_n3A_724 : vector<1024xf32> to vector<1024xi32>
    %lt3A_727 = arith.cmpf olt, %select_n3A_725, %convert_element_type3A_501 : vector<1024xf32>
    %eq3A_728 = arith.cmpf oeq, %select_n3A_725, %convert_element_type3A_501 : vector<1024xf32>
    %lt3A_729 = arith.cmpi slt, %convert_element_type3A_726, %select_n3A_498 : vector<1024xi32>
    %and3A_730 = arith.andi %eq3A_728, %lt3A_729 : vector<1024xi1>
    %or3A_731 = arith.ori %lt3A_727, %and3A_730 : vector<1024xi1>
    %select_n3A_732 = arith.select %or3A_731, %convert_element_type3A_726, %select_n3A_498 : vector<1024xi1>, vector<1024xi32>
    %select_n3A_733 = arith.select %or3A_731, %select_n3A_725, %convert_element_type3A_501 : vector<1024xi1>, vector<1024xf32>
    %convert_element_type3A_734 = arith.truncf %select_n3A_733 : vector<1024xf32> to vector<1024xbf16>
    %convert_element_type3A_735 = arith.extf %convert_element_type3A_734 : vector<1024xbf16> to vector<1024xf32>
    %swap3A = arith.constant 0 : index
    %swap3A_736 = vector.load %arg5[%swap3A] : memref<1024xi32, #tpu.memory_space<vmem>>, vector<1024xi32>
    tpu.vector_store %arg5[%swap3A], %select_n3A_732 {strides = array<i32>} : memref<1024xi32, #tpu.memory_space<vmem>>, vector<1024xi32>,
    %reduce_sum3A = vector.shape_cast %convert_element_type3A_735 : vector<1024xf32> to vector<1x1024xf32>
    %reduce_sum3A_737 = arith.constant dense<0.000000e+00> : vector<1xf32>
    %reduce_sum3A_738 = vector.multi_reduction <add>, %reduce_sum3A, %reduce_sum3A_737 [1] : vector<1x1024xf32> to vector<1xf32>
    %reduce_sum3A_739 = vector.shape_cast %reduce_sum3A_738 : vector<1xf32> to vector<1x1xf32>
    %reduce_sum3A_740 = vector.extract %reduce_sum3A_739[0, 0] : f32 from vector<1x1xf32>
    %reshape3A = vector.broadcast %reduce_sum3A_740 : f32 to vector<1x1xf32>
    %eq3A_741 = arith.constant 0 : i32
    %eq3A_742 = arith.cmpi eq, %arg0, %eq3A_741 : i32
    %convert_element_type3A_743 = arith.extui %eq3A_742 : i1 to i32
    %cond3A = arith.constant 0 : i32
    %cond3A_744 = arith.cmpi ne, %convert_element_type3A_743, %cond3A : i32
    scf.if %cond3A_744 {
      %swap3A_754 = arith.constant 0 : index
      %swap3A_755 = arith.constant 0 : index
      %swap3A_756 = vector.load %arg6[%swap3A_754, %swap3A_755] : memref<1x1xf32, #tpu.memory_space<vmem>>, vector<1x1xf32>
      tpu.vector_store %arg6[%swap3A_754, %swap3A_755], %reshape3A {strides = array<i32>} : memref<1x1xf32, #tpu.memory_space<vmem>>, vector<1x1xf32>,
    } else {
    }
    %gt3A = arith.constant 0 : i32
    %gt3A_745 = arith.cmpi sgt, %arg0, %gt3A : i32
    %convert_element_type3A_746 = arith.extui %gt3A_745 : i1 to i32
    %cond3A_747 = arith.constant 0 : i32
    %cond3A_748 = arith.cmpi ne, %convert_element_type3A_746, %cond3A_747 : i32
    scf.if %cond3A_748 {
      %get3A_754 = arith.constant 0 : index
      %get3A_755 = arith.constant 0 : index
      %get3A_756 = vector.load %arg6[%get3A_754, %get3A_755] : memref<1x1xf32, #tpu.memory_space<vmem>>, vector<1x1xf32>
      %add3A_757 = arith.addf %get3A_756, %reshape3A : vector<1x1xf32>
      %swap3A_758 = arith.constant 0 : index
      %swap3A_759 = arith.constant 0 : index
      %swap3A_760 = vector.load %arg6[%swap3A_758, %swap3A_759] : memref<1x1xf32, #tpu.memory_space<vmem>>, vector<1x1xf32>
      tpu.vector_store %arg6[%swap3A_758, %swap3A_759], %add3A_757 {strides = array<i32>} : memref<1x1xf32, #tpu.memory_space<vmem>>, vector<1x1xf32>,
    } else {
    }
    %eq3A_749 = arith.constant 15 : i32
    %eq3A_750 = arith.cmpi eq, %arg0, %eq3A_749 : i32
    %convert_element_type3A_751 = arith.extui %eq3A_750 : i1 to i32
    %cond3A_752 = arith.constant 0 : i32
    %cond3A_753 = arith.cmpi ne, %convert_element_type3A_751, %cond3A_752 : i32
    scf.if %cond3A_753 {
      %get3A_754 = arith.constant 0 : index
      %get3A_755 = arith.constant 0 : index
      %get3A_756 = vector.load %arg6[%get3A_754, %get3A_755] : memref<1x1xf32, #tpu.memory_space<vmem>>, vector<1x1xf32>
      %mul3A_757 = arith.constant 3.1709672E-7 : f32
      %mul3A_758 = vector.broadcast %mul3A_757 : f32 to vector<1x1xf32>
      %mul3A_759 = arith.mulf %get3A_756, %mul3A_758 : vector<1x1xf32>
      %swap3A_760 = arith.constant 0 : index
      %swap3A_761 = arith.constant 0 : index
      %swap3A_762 = vector.load %arg6[%swap3A_760, %swap3A_761] : memref<1x1xf32, #tpu.memory_space<vmem>>, vector<1x1xf32>
      tpu.vector_store %arg6[%swap3A_760, %swap3A_761], %mul3A_759 {strides = array<i32>} : memref<1x1xf32, #tpu.memory_space<vmem>>, vector<1x1xf32>,
    } else {
    }
    return
  }
  func.func @transform_0(%arg0: i32) -> (i32, i32) {
    %c0_i32 = arith.constant 0 : i32
    %c0_i32_0 = arith.constant 0 : i32
    return %arg0, %c0_i32 : i32, i32
  }
  func.func @transform_1(%arg0: i32) -> (i32, i32) {
    %c0_i32 = arith.constant 0 : i32
    %c0_i32_0 = arith.constant 0 : i32
    return %arg0, %c0_i32 : i32, i32
  }
  func.func @transform_2(%arg0: i32) -> (i32, i32) {
    %c0_i32 = arith.constant 0 : i32
    %c0_i32_0 = arith.constant 0 : i32
    %c0_i32_1 = arith.constant 0 : i32
    return %c0_i32, %c0_i32_0 : i32, i32
  }
  func.func @transform_3(%arg0: i32) -> (i32, i32, i32) {
    %c0_i32 = arith.constant 0 : i32
    %c0_i32_0 = arith.constant 0 : i32
    %c0_i32_1 = arith.constant 0 : i32
    %c0_i32_2 = arith.constant 0 : i32
    return %c0_i32, %c0_i32_0, %c0_i32_1 : i32, i32, i32
  }
  func.func @transform_4(%arg0: i32) -> i32 {
    %c0_i32 = arith.constant 0 : i32
    return %arg0 : i32
  }
  func.func @transform_5(%arg0: i32) -> (i32, i32) {
    %c0_i32 = arith.constant 0 : i32
    %c0_i32_0 = arith.constant 0 : i32
    %c0_i32_1 = arith.constant 0 : i32
    return %c0_i32, %c0_i32_0 : i32, i32
  }
}

</mosaic_0001>

<sc_bundles>
// kernel: kernel.4.cloned.1.call-start
scs
__scs_entry_jumppad:
0x0: {  	(pc) =	sbr.rel $0x88, $3  }
0x1: {  	(tag) =	ssettag $0x0;
	lr =	simm.s32 $0x1  }
0x2: {  	[smem:$0x3F9F] =	sst lr;
	_ =	strace $0xD0000000  }
0x3: {  	_ = 	snop  }
0x4: {  	_ = 	snop  }
0x5: {  	_ = 	snop  }
0x6: {  	_ = 	snop  }
0x7: {  	_ = 	snop  }
__scs_overlays_trampoline_lowered:
0x8: {  	[smem:$0x3FAE] =	sst s0  }
0x9: {  	[smem:$0x3FAF] =	sst s1  }
0xa: {  	[smem:$0x3FB0] =	sst s2  }
0xb: {  	[smem:$0x3FB1] =	sst s3  }
0xc: {  	[smem:$0x3FB2] =	sst s4  }
0xd: {  	[smem:$0x3FB3] =	sst s5  }
0xe: {  	[smem:$0x3FB4] =	sst s6  }
0xf: {  	[smem:$0x3FB5] =	sst s7  }
0x10: {  	[smem:$0x3FB6] =	sst s8  }
0x11: {  	[smem:$0x3FB7] =	sst s9;
	s0 =	simm.s32 @!p0 $0x0  }
0x12: {  	s1 =	sld [smem:$0x3F9D];
	s0 =	simm.s32 @p0 $0x1  }
0x13: {  	[smem:$0x3FB8] =	sst s0;
	s0 =	simm.s32 @!p1 $0x0  }
0x14: {  	s2 =	sld [smem:$0x3F9C];
	s0 =	simm.s32 @p1 $0x1  }
0x15: {  	[smem:$0x3FB9] =	sst s0;
	s0 =	simm.s32 @!p2 $0x0  }
0x16: {  	s3 =	sld [smem:$0x3FDB];
	s0 =	simm.s32 @p2 $0x1  }
0x17: {  	s4 =	simm.s32 $0x1BF5;
	[smem:$0x3FBB] =	sst s0  }
0x18: {  	s0 =	sld [smem:$0x3F9E];
	_ =	swait.ge [sflag:s4], $0x0  }
0x19: {  	s7 =	sld [smem:$0x3F9F]  }
0x1a: {  	s8 =	sadd.s32 $0xFFFFE003, lr  }
0x1b: {  	s9 =	sadd.s32 $0xFFFFFEF7, lr;
	s5 =	simm.s32 $0xFFFFFFFF;
	p2 =	slt.u32 s8, $0xFFFFF086  }
0x1c: {  	p1 =	slt.u32 s9, $0xF7A;
	s5 =	simm.s32 @!p2 $0x0  }
0x1d: {  	s5 =	simm.s32 @p1 $0x1;
	p0 =	seq.s32 s7, s2  }
0x1e: {  	s7 =	smul.u32 @!p0 $0xF7A, s2;
	p2 =	seq.s32 @!p0 s5, $0x0  }
0x1f: {  	s9 =	smul.u32 $0xF7A, s1;
	s8 =	simm.s32 @!p0 $0x1BF5;
	p2 =	por !p2, p0  }
0x20: {  	[sflag:s8] =	ssyncset.s32 @!p0 $0xFFFFF086;
	s6 =	sadd.s32 @!p0 s3, s7;
	s7 =	simm.s32 @!p0 $0x108  }
0x21: {  	s3 =	sadd.s32 s3, s9;
	s6 =	sadd.s32 @!p0 $0x88, s6;
	s7 =	simm.s32 @p2 $0x1082  }
0x22: {  	[simem:s7], [sflag:s8] =	dma.local @!p0 [hbm:s6], $0xF7A  }
0x23: {  	s9 =	sor.u32 $0xD0000000, s2;
	s6 =	simm.s32 $0x108;
	_ =	swait.ge @!p0 [sflag:s8], $0x0  }
0x24: {  	s3 =	sadd.s32 $0x88, s3;
	s6 =	simm.s32 @!p1 $0x1082;
	[sflag:s4] =	ssyncset.s32 $0xFFFFF086  }
0x25: {  	[simem:s6], [sflag:s4] =	dma.local [hbm:s3], $0xF7A  }
0x26: {  	[smem:$0x3F9F] =	sst s1;
	(tag) =	ssettag s2;
	_ =	strace s9  }
0x27: {  	s1 =	sld [smem:$0x3FAF]  }
0x28: {  	s2 =	sld [smem:$0x3FB0]  }
0x29: {  	s4 =	sld [smem:$0x3FB2]  }
0x2a: {  	p0 =	seq.s32 s5, $0x0;
	s5 =	sld [smem:$0x3FB3]  }
0x2b: {  	s6 =	sld [smem:$0x3FB4]  }
0x2c: {  	s7 =	sld [smem:$0x3FB5]  }
0x2d: {  	s3 =	simm.s32 $0x108;
	s8 =	sld [smem:$0x3FB6]  }
0x2e: {  	s3 =	simm.s32 @!p0 $0x1082;
	s9 =	sld [smem:$0x3FB7]  }
0x2f: {  	lr =	sadd.s32 s0, s3;
	s0 =	sld [smem:$0x3FAE]  }
0x30: {  	s3 =	sld [smem:$0x3FB1]  }
0x31: {  	[smem:$0x3FBA] =	sst s10  }
0x32: {  	s10 =	sld [smem:$0x3FB8];
	_ =	sdelay $0x3  }
0x33: {  	p0 =	seq.s32 s10, $0x1;
	s10 =	sld [smem:$0x3FBA];
	_ =	sdelay $0x3  }
0x34: {  	[smem:$0x3FBA] =	sst s10  }
0x35: {  	s10 =	sld [smem:$0x3FB9];
	_ =	sdelay $0x3  }
0x36: {  	p1 =	seq.s32 s10, $0x1;
	s10 =	sld [smem:$0x3FBA];
	_ =	sdelay $0x3  }
0x37: {  	[smem:$0x3FBA] =	sst s10  }
0x38: {  	s10 =	sld [smem:$0x3FBB]  }
0x39: {  	_ = 	snop;
	(pc) =	sbr.ind lr, $3  }
0x3a: {  	_ = 	snop  }
0x3b: {  	_ = 	snop  }
0x3c: {  	p2 =	seq.s32 s10, $0x1;
	s10 =	sld [smem:$0x3FBA]  }
0x3d: {  	_ =	shalt  }
0x3e: {  	_ =	shalt  }
0x3f: {  	_ =	shalt  }
0x40: {  	_ =	shalt  }
0x41: {  	_ =	shalt  }
0x42: {  	_ =	shalt  }
0x43: {  	_ =	shalt  }
0x44: {  	_ =	shalt  }
0x45: {  	_ =	shalt  }
0x46: {  	_ =	shalt  }
0x47: {  	_ =	shalt  }
0x48: {  	_ =	shalt  }
0x49: {  	_ =	shalt  }
0x4a: {  	_ =	shalt  }
0x4b: {  	_ =	shalt  }
0x4c: {  	_ =	shalt  }
0x4d: {  	_ =	shalt  }
0x4e: {  	_ =	shalt  }
0x4f: {  	_ =	shalt  }
0x50: {  	_ =	shalt  }
0x51: {  	_ =	shalt  }
0x52: {  	_ =	shalt  }
0x53: {  	_ =	shalt  }
0x54: {  	_ =	shalt  }
0x55: {  	_ =	shalt  }
0x56: {  	_ =	shalt  }
0x57: {  	_ =	shalt  }
0x58: {  	_ =	shalt  }
0x59: {  	_ =	shalt  }
0x5a: {  	_ =	shalt  }
0x5b: {  	_ =	shalt  }
0x5c: {  	_ =	shalt  }
0x5d: {  	_ =	shalt  }
0x5e: {  	_ =	shalt  }
0x5f: {  	_ =	shalt  }
0x60: {  	_ =	shalt  }
0x61: {  	_ =	shalt  }
0x62: {  	_ =	shalt  }
0x63: {  	_ =	shalt  }
0x64: {  	_ =	shalt  }
0x65: {  	_ =	shalt  }
0x66: {  	_ =	shalt  }
0x67: {  	_ =	shalt  }
0x68: {  	_ =	shalt  }
0x69: {  	_ =	shalt  }
0x6a: {  	_ =	shalt  }
0x6b: {  	_ =	shalt  }
0x6c: {  	_ =	shalt  }
0x6d: {  	_ =	shalt  }
0x6e: {  	_ =	shalt  }
0x6f: {  	_ =	shalt  }
0x70: {  	_ =	shalt  }
0x71: {  	_ =	shalt  }
0x72: {  	_ =	shalt  }
0x73: {  	_ =	shalt  }
0x74: {  	_ =	shalt  }
0x75: {  	_ =	shalt  }
0x76: {  	_ =	shalt  }
0x77: {  	_ =	shalt  }
0x78: {  	_ =	shalt  }
0x79: {  	_ =	shalt  }
0x7a: {  	_ =	shalt  }
0x7b: {  	_ =	shalt  }
0x7c: {  	_ =	shalt  }
0x7d: {  	_ =	shalt  }
0x7e: {  	_ =	shalt  }
0x7f: {  	_ =	shalt  }
0x80: {  	_ =	shalt  }
0x81: {  	_ =	shalt  }
0x82: {  	_ =	shalt  }
0x83: {  	_ =	shalt  }
0x84: {  	_ =	shalt  }
0x85: {  	_ =	shalt  }
0x86: {  	_ =	shalt  }
0x87: {  	_ =	shalt  }
.Lfunc_end0:
.L_simem_size_0:
called_computation_lowered:
.L_overlay_start_0:
0x88: {  	s2 =	sld [smem:$0x3FD9]  }
0x89: {  	s3 =	sld [smem:$0x3FFE];
	_ =	sdelay $0x1  }
0x8a: {  	s1 =	srdreg.scid  }
0x8b: {  	s0 =	sand.u32 $0x1, s1  }
0x8c: {  	s15 =	sshll.u32 s0, $0xA;
	s2 =	sadd.s32 s3, s2  }
0x8d: {  	s2 =	sadd.s32 s2, s15  }
0x8e: {  	[smem:$0x3FC6] =	sst s2  }
0x8f: {  	_ = 	snop  }
0x90: {  	s2 =	sld [smem:$0x3FD0];
	_ =	sdelay $0x2  }
0x91: {  	s4 =	simm.s32 $0xA;
	s5 =	simm.s32 $0x10;
	s16 =	sld [smem:$0x3FC8]  }
0x92: {  	[smem:s5], [sflag:s4] =	dma.local [hbm:s2], $0x1  }
0x93: {  	_ =	swait.eq [sflag:s4], $0x1  }
0x94: {  	[sflag:s4] =	ssyncset.done $0x0  }
0x95: {  	s17 =	sld [smem:$0x10];
	[sflag:s4] =	ssyncadd.s32 $0xFFFFFFFF  }
0x96: {  	s18 =	sld [smem:$0x12];
	(tm) =	ssettm $0x1  }
0x97: {  	s19 =	sld [smem:$0x3FFB];
	_ =	sdelay $0x3  }
0x98: {  	_ =	strace s19  }
0x99: {  	s5 =	sld [smem:$0x3FFC];
	_ =	sdelay $0x3  }
0x9a: {  	_ =	strace s5  }
0x9b: {  	s5 =	sld [smem:$0x3FFD];
	_ =	sdelay $0x3  }
0x9c: {  	_ =	strace s5  }
0x9d: {  	_ =	strace $0x8FFFFFFF  }
0x9e: {  	s20 =	sld [smem:$0x3FDB];
	_ =	sdelay $0x1  }
0x9f: {  	s6 =	simm.s32 $_scs_section_size  }
0xa0: {  	s7 =	simm.s32 $_size__tile_overlayer_lowered;
	s8 =	simm.s32 $_tile_overlayer_lowered  }
0xa1: {  	s23 =	simm.s32 $0x1BFF;
	s22 =	sshll.u32 s8, $0x1;
	s5 =	sadd.s32 s6, s20  }
0xa2: {  	s9 =	simm.s32 $0x0;
	s21 =	sshll.u32 s7, $0x1;
	s7 =	sadd.s32 s22, s5  }
0xa3: {  	[timem:s9], [sflag:s23] =	dma.local [hbm:s7], s21  }
0xa4: {  	_ =	swait.ge [sflag:s23], s21  }
0xa5: {  	s6 =	ssub.s32 $0x0, s21;
	[sflag:s23] =	ssyncset.done $0x0  }
0xa6: {  	[sflag:s23] =	ssyncadd.s32 s6;
	_ =	sdelay $0x1  }
0xa7: {  	s24 =	simm.s32 $0x1B8B  }
0xa8: {  	_ =	swait.ge [sflag:s24], $0x1  }
0xa9: {  	[sflag:s24] =	ssyncset.done $0x0  }
0xaa: {  	s25 =	simm.s32 $0x1B8E;
	[sflag:s24] =	ssyncadd.s32 $0xFFFFFFFF  }
0xab: {  	s26 =	simm.s32 $execute0_lowered;
	[smem:$0x3FD2] =	sst s25  }
0xac: {  	s6 =	sshll.u32 s26, $0x1;
	_ =	strace $0x80000046;
	[dreg:$0x1] =	wrdreg $0xFFFFFFFF  }
0xad: {  	s28 =	simm.s32 $_size_execute0_lowered;
	s5 =	sadd.s32 s5, s6;
	[dreg:$0x0] =	wrdreg $0x0  }
0xae: {  	s6 =	sshll.u32 s28, $0x1;
	[dreg:$0x2] =	wrdreg s5  }
0xaf: {  	[dreg:$0x3] =	wrdreg s6  }
0xb0: {  	[dreg:$0x4] =	wrdreg $0xC0  }
0xb1: {  	_ =	task [dreg:s9], $0x5FFFF  }
0xb2: {  	[dreg:$0x1] =	wrdreg $0xFFFFFFFF  }
0xb3: {  	[dreg:$0x0] =	wrdreg $0x60  }
0xb4: {  	[dreg:$0x2] =	wrdreg s16  }
0xb5: {  	[dreg:$0x3] =	wrdreg s18  }
0xb6: {  	[dreg:$0x4] =	wrdreg s17  }
0xb7: {  	[dreg:$0x5] =	wrdreg $0x9  }
0xb8: {  	_ =	task.clear_ibuf [dreg:s9], $0x6FFFF;
	_ =	strace $0x90000046  }
0xb9: {  	s29 =	simm.s32 $0x9;
	_ =	strace $0x80000048  }
0xba: {  	_ =	swait.ge [sflag:s29], $0x1  }
0xbb: {  	[sflag:s29] =	ssyncadd.s32 $0xFFFFFFFF  }
0xbc: {  	_ =	strace $0x90000048  }
0xbd: {  	_ =	sfence  }
0xbe: {  	s30 =	sld [smem:$0x0];
	_ =	sdelay $0x2  }
0xbf: {  	s31 =	sshll.u32 s1, $0xD;
	s1 =	sshrl.u32 s1, $0x2  }
0xc0: {  	s3 =	sand.u32 $0x4000, s31;
	s1 =	sadd.s32 s1, s30  }
0xc1: {  	s0 =	sor.u32 s3, s0;
	s1 =	sshll.u32 s1, $0x11  }
0xc2: {  	s0 =	sor.u32 s1, s0  }
0xc3: {  	s0 =	sadd.s32 $0x8F2B, s0  }
0xc4: {  	[sflag:s0] =	ssyncadd.remote.s32 $0x1  }
0xc5: {  	_ =	sfence.sel $0xFFFF  }
0xc6: {  	[dreg:$0x0] =	wrdreg $0xFFFFFFFF;
	(pc) =	sbr.abs _section_cstart, $3  }
0xc7: {  	[dreg:$0x1] =	wrdreg $0xFFFFFFFF  }
0xc8: {  	_ =	task.clear_ibuf [dreg:s9], $0x2FFFF;
	_ =	strace $0x9FFFFFFF  }
0xc9: {  	(tm) =	ssettm $0x7FFFFFFF  }
tec
execute0_lowered:
.L_overlay_start_1:
0x0: {  	(tag) =	ssettag $0x1  }
0x1: {  	s1 =	rddreg [dreg:$0x0]  }
0x2: {  	s10 =	rddreg [dreg:$0x1]  }
0x3: {  	s11 =	rddreg [dreg:$0x2]  }
0x4: {  	s0 =	rddreg [dreg:$0x3];
	s3 =	simm.s32 $0x0;
	s4 =	srdreg.scid  }
0x5: {  	s2 =	stileid.u32;
	s15 =	simm.s32 $0x880;
	s16 =	simm.s32 $0x1080  }
0x6: {  	s17 =	simm.s32 $0x1880;
	s18 =	simm.s32 $0x2080;
	s19 =	simm.s32 $0x2880  }
0x7: {  	s20 =	simm.s32 $0x3080;
	s21 =	simm.s32 $0x3880;
	s22 =	simm.s32 $0x4080  }
0x8: {  	s28 =	simm.s32 $0x6880;
	s29 =	simm.s32 $0x7080;
	s30 =	simm.s32 $0x7880  }
0x9: {  	s31 =	simm.s32 $0x1;
	[smem:$0x7FF] =	sst s3;
	s4 =	sand.u32 $0x1, s4  }
0xa: {  	s6 =	sshll.u32 s2, $0xA;
	s5 =	ssub.s32 $0x2, s4;
	s4 =	sshll.u32 s4, $0x9  }
0xb: {  	_ =	strace $0x80000047;
	s7 =	sshrl.u32 s5, $0x1;
	s9 =	sor.u32 s4, s6  }
0xc: {  	s12 =	ssub.s32 s5, s7;
	s4 =	sshrl.u32 s9, $0x3;
	s23 =	sshll.u32 s9, $0x5  }
0xd: {  	s6 =	sor.u32 $0x80, s9;
	s13 =	sor.u32 $0x100, s9;
	s14 =	sor.u32 $0x180, s9  }
0xe: {  	s4 =	sadd.s32 s10, s4;
	s5 =	sadd.s32 s11, s23;
	s24 =	sshrl.u32 s6, $0x3  }
0xf: {  	s8 =	sshll.u32 s6, $0x5;
	s25 =	sshrl.u32 s13, $0x3;
	s13 =	sshll.u32 s13, $0x5  }
0x10: {  	s26 =	sshrl.u32 s14, $0x3;
	s14 =	sshll.u32 s14, $0x5;
	s12 =	smax.u32 s12, $0x1  }
0x11: {  	s23 =	simm.s32 $0x4880;
	s6 =	sadd.s32 s10, s24;
	s7 =	sadd.s32 s11, s8  }
0x12: {  	v2 =	vlaneseq.u32;
	s8 =	sadd.s32 s10, s25;
	s9 =	sadd.s32 s11, s13;
	s10 =	sadd.s32 s10, s26  }
0x13: {  	vm0 =	vmmov $0xffff;
	v1 =	vshrl.u32 v2, $0x3;
	s11 =	sadd.s32 s11, s14;
	s13 =	simm.s32 $0x2;
	s14 =	simm.s32 $0x80  }
0x14: {  	v0 =	vand.u32 $0x7, v2;
	v2 =	vor.u32 $0x8, v2;
	v1 =	vmul.u32 $0x8, v1;
	s24 =	simm.s32 $0x5080;
	s25 =	simm.s32 $0x5880;
	s26 =	simm.s32 $0x6080  }
.LBB2_1:
0x15: {  	[tilespmem:s3], [sflag:$0x2] =	stream.linear.gather [hbm4b:s4+s3], $0x80, $0x38;
	[tilespmem:$0x8080] =	vst v63  }
0x16: {  	_ =	swait.ge [sflag:s13], $0x80  }
0x17: {  	[sflag:s13] =	ssyncset.done $0x0  }
0x18: {  	[sflag:s13] =	ssyncadd.s32 $0xFFFFFF80  }
0x19: {  	v3 =	vld [tilespmem:$0x0];
	_ =	sdelay $0x4  }
0x1a: {  	v4 =	vshll.u32 v3, $0x1  }
0x1b: {  	v3 =	vand.u32 $0x7, v3;
	v4 =	vand.u32 $0xFFFFFFF0, v4  }
0x1c: {  	v3 =	vor.u32 v3, v4  }
0x1d: {  	v4 =	vperm.xlane v3, v0;
	_ =	sdelay $0x1  }
0x1e: {  	v3 =	vperm.xlane v3, v2;
	v4 =	vadd.s32 v1, v4;
	_ =	sdelay $0x1  }
0x1f: {  	v3 =	vadd.s32 v1, v3;
	_ =	sdelay $0x2  }
0x20: {  	[tilespmem:s14], [sflag:$0x1] =	stream.indirect_vreg.gather [hbm4b:s1+s3], $0x80, v4, vm0, $0xb8;
	[tilespmem:$0x8080] =	vst v63  }
0x21: {  	_ = 	snop  }
0x22: {  	[tilespmem:s15], [sflag:$0x1] =	stream.indirect_vreg.gather [hbm4b:s1+s3], $0x80, v3, vm0, $0xb8;
	[tilespmem:$0x8080] =	vst v63  }
0x23: {  	v3 =	vld [tilespmem:$0x10];
	_ =	sdelay $0x4  }
0x24: {  	v33 =	vshll.u32 v3, $0x1  }
0x25: {  	v3 =	vand.u32 $0x7, v3;
	v4 =	vand.u32 $0xFFFFFFF0, v33  }
0x26: {  	v3 =	vor.u32 v3, v4  }
0x27: {  	v4 =	vperm.xlane v3, v0;
	_ =	sdelay $0x1  }
0x28: {  	v3 =	vperm.xlane v3, v2;
	v4 =	vadd.s32 v1, v4;
	_ =	sdelay $0x1  }
0x29: {  	v3 =	vadd.s32 v1, v3;
	_ =	sdelay $0x2  }
0x2a: {  	[tilespmem:s16], [sflag:$0x1] =	stream.indirect_vreg.gather [hbm4b:s1+s3], $0x80, v4, vm0, $0xb8;
	[tilespmem:$0x8080] =	vst v63  }
0x2b: {  	_ = 	snop  }
0x2c: {  	[tilespmem:s17], [sflag:$0x1] =	stream.indirect_vreg.gather [hbm4b:s1+s3], $0x80, v3, vm0, $0xb8;
	[tilespmem:$0x8080] =	vst v63  }
0x2d: {  	v3 =	vld [tilespmem:$0x20];
	_ =	sdelay $0x4  }
0x2e: {  	v34 =	vshll.u32 v3, $0x1  }
0x2f: {  	v3 =	vand.u32 $0x7, v3;
	v4 =	vand.u32 $0xFFFFFFF0, v34  }
0x30: {  	v3 =	vor.u32 v3, v4  }
0x31: {  	v4 =	vperm.xlane v3, v0;
	_ =	sdelay $0x1  }
0x32: {  	v3 =	vperm.xlane v3, v2;
	v4 =	vadd.s32 v1, v4;
	_ =	sdelay $0x1  }
0x33: {  	v3 =	vadd.s32 v1, v3;
	_ =	sdelay $0x2  }
0x34: {  	[tilespmem:s18], [sflag:$0x1] =	stream.indirect_vreg.gather [hbm4b:s1+s3], $0x80, v4, vm0, $0xb8;
	[tilespmem:$0x8080] =	vst v63  }
0x35: {  	_ = 	snop  }
0x36: {  	[tilespmem:s19], [sflag:$0x1] =	stream.indirect_vreg.gather [hbm4b:s1+s3], $0x80, v3, vm0, $0xb8;
	[tilespmem:$0x8080] =	vst v63  }
0x37: {  	v3 =	vld [tilespmem:$0x30];
	_ =	sdelay $0x4  }
0x38: {  	v35 =	vshll.u32 v3, $0x1  }
0x39: {  	v3 =	vand.u32 $0x7, v3;
	v4 =	vand.u32 $0xFFFFFFF0, v35  }
0x3a: {  	v3 =	vor.u32 v3, v4  }
0x3b: {  	v4 =	vperm.xlane v3, v0;
	_ =	sdelay $0x1  }
0x3c: {  	v3 =	vperm.xlane v3, v2;
	v4 =	vadd.s32 v1, v4;
	_ =	sdelay $0x1  }
0x3d: {  	v3 =	vadd.s32 v1, v3;
	_ =	sdelay $0x2  }
0x3e: {  	[tilespmem:s20], [sflag:$0x1] =	stream.indirect_vreg.gather [hbm4b:s1+s3], $0x80, v4, vm0, $0xb8;
	[tilespmem:$0x8080] =	vst v63  }
0x3f: {  	_ = 	snop  }
0x40: {  	[tilespmem:s21], [sflag:$0x1] =	stream.indirect_vreg.gather [hbm4b:s1+s3], $0x80, v3, vm0, $0xb8;
	[tilespmem:$0x8080] =	vst v63  }
0x41: {  	v3 =	vld [tilespmem:$0x40];
	_ =	sdelay $0x4  }
0x42: {  	v36 =	vshll.u32 v3, $0x1  }
0x43: {  	v3 =	vand.u32 $0x7, v3;
	v4 =	vand.u32 $0xFFFFFFF0, v36  }
0x44: {  	v3 =	vor.u32 v3, v4  }
0x45: {  	v4 =	vperm.xlane v3, v0;
	_ =	sdelay $0x1  }
0x46: {  	v3 =	vperm.xlane v3, v2;
	v4 =	vadd.s32 v1, v4;
	_ =	sdelay $0x1  }
0x47: {  	v3 =	vadd.s32 v1, v3;
	_ =	sdelay $0x2  }
0x48: {  	[tilespmem:s22], [sflag:$0x1] =	stream.indirect_vreg.gather [hbm4b:s1+s3], $0x80, v4, vm0, $0xb8;
	[tilespmem:$0x8080] =	vst v63  }
0x49: {  	_ = 	snop  }
0x4a: {  	[tilespmem:s23], [sflag:$0x1] =	stream.indirect_vreg.gather [hbm4b:s1+s3], $0x80, v3, vm0, $0xb8;
	[tilespmem:$0x8080] =	vst v63  }
0x4b: {  	v3 =	vld [tilespmem:$0x50];
	_ =	sdelay $0x4  }
0x4c: {  	v37 =	vshll.u32 v3, $0x1  }
0x4d: {  	v3 =	vand.u32 $0x7, v3;
	v4 =	vand.u32 $0xFFFFFFF0, v37  }
0x4e: {  	v3 =	vor.u32 v3, v4  }
0x4f: {  	v4 =	vperm.xlane v3, v0;
	_ =	sdelay $0x1  }
0x50: {  	v3 =	vperm.xlane v3, v2;
	v4 =	vadd.s32 v1, v4;
	_ =	sdelay $0x1  }
0x51: {  	v3 =	vadd.s32 v1, v3;
	_ =	sdelay $0x2  }
0x52: {  	[tilespmem:s24], [sflag:$0x1] =	stream.indirect_vreg.gather [hbm4b:s1+s3], $0x80, v4, vm0, $0xb8;
	[tilespmem:$0x8080] =	vst v63  }
0x53: {  	_ = 	snop  }
0x54: {  	[tilespmem:s25], [sflag:$0x1] =	stream.indirect_vreg.gather [hbm4b:s1+s3], $0x80, v3, vm0, $0xb8;
	[tilespmem:$0x8080] =	vst v63  }
0x55: {  	v3 =	vld [tilespmem:$0x60];
	_ =	sdelay $0x4  }
0x56: {  	v38 =	vshll.u32 v3, $0x1  }
0x57: {  	v3 =	vand.u32 $0x7, v3;
	v4 =	vand.u32 $0xFFFFFFF0, v38  }
0x58: {  	v3 =	vor.u32 v3, v4  }
0x59: {  	v4 =	vperm.xlane v3, v0;
	_ =	sdelay $0x1  }
0x5a: {  	v3 =	vperm.xlane v3, v2;
	v4 =	vadd.s32 v1, v4;
	_ =	sdelay $0x1  }
0x5b: {  	v3 =	vadd.s32 v1, v3;
	_ =	sdelay $0x2  }
0x5c: {  	[tilespmem:s26], [sflag:$0x1] =	stream.indirect_vreg.gather [hbm4b:s1+s3], $0x80, v4, vm0, $0xb8;
	[tilespmem:$0x8080] =	vst v63  }
0x5d: {  	_ = 	snop  }
0x5e: {  	[tilespmem:s28], [sflag:$0x1] =	stream.indirect_vreg.gather [hbm4b:s1+s3], $0x80, v3, vm0, $0xb8;
	[tilespmem:$0x8080] =	vst v63  }
0x5f: {  	v3 =	vld [tilespmem:$0x70];
	_ =	sdelay $0x4  }
0x60: {  	v39 =	vshll.u32 v3, $0x1  }
0x61: {  	v3 =	vand.u32 $0x7, v3;
	v4 =	vand.u32 $0xFFFFFFF0, v39  }
0x62: {  	v3 =	vor.u32 v3, v4  }
0x63: {  	v4 =	vperm.xlane v3, v0;
	_ =	sdelay $0x1  }
0x64: {  	v3 =	vperm.xlane v3, v2;
	v4 =	vadd.s32 v1, v4;
	_ =	sdelay $0x1  }
0x65: {  	v3 =	vadd.s32 v1, v3;
	_ =	sdelay $0x2  }
0x66: {  	[tilespmem:s29], [sflag:$0x1] =	stream.indirect_vreg.gather [hbm4b:s1+s3], $0x80, v4, vm0, $0xb8;
	[tilespmem:$0x8080] =	vst v63  }
0x67: {  	_ = 	snop  }
0x68: {  	[tilespmem:s30], [sflag:$0x1] =	stream.indirect_vreg.gather [hbm4b:s1+s3], $0x80, v3, vm0, $0xb8;
	[tilespmem:$0x8080] =	vst v63  }
0x69: {  	_ =	swait.ge [sflag:s31], $0x8000  }
0x6a: {  	[sflag:s31] =	ssyncset.done $0x0  }
0x6b: {  	[sflag:s31] =	ssyncadd.s32 $0xFFFF8000  }
0x6c: {  	[hbm4b:s5+s3] =	stream.linear.scatter [tilespmem:s14], [sflag:$0x2], $0x8000, $0x38;
	[tilespmem:$0x8080] =	vst v63  }
0x6d: {  	_ =	swait.ge [sflag:s13], $0x8000  }
0x6e: {  	[sflag:s13] =	ssyncset.done $0x0  }
0x6f: {  	[sflag:s13] =	ssyncadd.s32 $0xFFFF8000  }
0x70: {  	[tilespmem:s3], [sflag:$0x2] =	stream.linear.gather [hbm4b:s6+s3], $0x80, $0x38;
	[tilespmem:$0x8080] =	vst v63  }
0x71: {  	_ =	swait.ge [sflag:s13], $0x80  }
0x72: {  	[sflag:s13] =	ssyncset.done $0x0  }
0x73: {  	[sflag:s13] =	ssyncadd.s32 $0xFFFFFF80  }
0x74: {  	v3 =	vld [tilespmem:$0x0];
	_ =	sdelay $0x4  }
0x75: {  	v40 =	vshll.u32 v3, $0x1  }
0x76: {  	v3 =	vand.u32 $0x7, v3;
	v4 =	vand.u32 $0xFFFFFFF0, v40  }
0x77: {  	v3 =	vor.u32 v3, v4  }
0x78: {  	v4 =	vperm.xlane v3, v0;
	_ =	sdelay $0x1  }
0x79: {  	v3 =	vperm.xlane v3, v2;
	v4 =	vadd.s32 v1, v4;
	_ =	sdelay $0x1  }
0x7a: {  	v3 =	vadd.s32 v1, v3;
	_ =	sdelay $0x2  }
0x7b: {  	[tilespmem:s14], [sflag:$0x1] =	stream.indirect_vreg.gather [hbm4b:s1+s3], $0x80, v4, vm0, $0xb8;
	[tilespmem:$0x8080] =	vst v63  }
0x7c: {  	_ = 	snop  }
0x7d: {  	[tilespmem:s15], [sflag:$0x1] =	stream.indirect_vreg.gather [hbm4b:s1+s3], $0x80, v3, vm0, $0xb8;
	[tilespmem:$0x8080] =	vst v63  }
0x7e: {  	v3 =	vld [tilespmem:$0x10];
	_ =	sdelay $0x4  }
0x7f: {  	v41 =	vshll.u32 v3, $0x1  }
0x80: {  	v3 =	vand.u32 $0x7, v3;
	v4 =	vand.u32 $0xFFFFFFF0, v41  }
0x81: {  	v3 =	vor.u32 v3, v4  }
0x82: {  	v4 =	vperm.xlane v3, v0;
	_ =	sdelay $0x1  }
0x83: {  	v3 =	vperm.xlane v3, v2;
	v4 =	vadd.s32 v1, v4;
	_ =	sdelay $0x1  }
0x84: {  	v3 =	vadd.s32 v1, v3;
	_ =	sdelay $0x2  }
0x85: {  	[tilespmem:s16], [sflag:$0x1] =	stream.indirect_vreg.gather [hbm4b:s1+s3], $0x80, v4, vm0, $0xb8;
	[tilespmem:$0x8080] =	vst v63  }
0x86: {  	_ = 	snop  }
0x87: {  	[tilespmem:s17], [sflag:$0x1] =	stream.indirect_vreg.gather [hbm4b:s1+s3], $0x80, v3, vm0, $0xb8;
	[tilespmem:$0x8080] =	vst v63  }
0x88: {  	v3 =	vld [tilespmem:$0x20];
	_ =	sdelay $0x4  }
0x89: {  	v42 =	vshll.u32 v3, $0x1  }
0x8a: {  	v3 =	vand.u32 $0x7, v3;
	v4 =	vand.u32 $0xFFFFFFF0, v42  }
0x8b: {  	v3 =	vor.u32 v3, v4  }
0x8c: {  	v4 =	vperm.xlane v3, v0;
	_ =	sdelay $0x1  }
0x8d: {  	v3 =	vperm.xlane v3, v2;
	v4 =	vadd.s32 v1, v4;
	_ =	sdelay $0x1  }
0x8e: {  	v3 =	vadd.s32 v1, v3;
	_ =	sdelay $0x2  }
0x8f: {  	[tilespmem:s18], [sflag:$0x1] =	stream.indirect_vreg.gather [hbm4b:s1+s3], $0x80, v4, vm0, $0xb8;
	[tilespmem:$0x8080] =	vst v63  }
0x90: {  	_ = 	snop  }
0x91: {  	[tilespmem:s19], [sflag:$0x1] =	stream.indirect_vreg.gather [hbm4b:s1+s3], $0x80, v3, vm0, $0xb8;
	[tilespmem:$0x8080] =	vst v63  }
0x92: {  	v3 =	vld [tilespmem:$0x30];
	_ =	sdelay $0x4  }
0x93: {  	v43 =	vshll.u32 v3, $0x1  }
0x94: {  	v3 =	vand.u32 $0x7, v3;
	v4 =	vand.u32 $0xFFFFFFF0, v43  }
0x95: {  	v3 =	vor.u32 v3, v4  }
0x96: {  	v4 =	vperm.xlane v3, v0;
	_ =	sdelay $0x1  }
0x97: {  	v3 =	vperm.xlane v3, v2;
	v4 =	vadd.s32 v1, v4;
	_ =	sdelay $0x1  }
0x98: {  	v3 =	vadd.s32 v1, v3;
	_ =	sdelay $0x2  }
0x99: {  	[tilespmem:s20], [sflag:$0x1] =	stream.indirect_vreg.gather [hbm4b:s1+s3], $0x80, v4, vm0, $0xb8;
	[tilespmem:$0x8080] =	vst v63  }
0x9a: {  	_ = 	snop  }
0x9b: {  	[tilespmem:s21], [sflag:$0x1] =	stream.indirect_vreg.gather [hbm4b:s1+s3], $0x80, v3, vm0, $0xb8;
	[tilespmem:$0x8080] =	vst v63  }
0x9c: {  	v3 =	vld [tilespmem:$0x40];
	_ =	sdelay $0x4  }
0x9d: {  	v44 =	vshll.u32 v3, $0x1  }
0x9e: {  	v3 =	vand.u32 $0x7, v3;
	v4 =	vand.u32 $0xFFFFFFF0, v44  }
0x9f: {  	v3 =	vor.u32 v3, v4  }
0xa0: {  	v4 =	vperm.xlane v3, v0;
	_ =	sdelay $0x1  }
0xa1: {  	v3 =	vperm.xlane v3, v2;
	v4 =	vadd.s32 v1, v4;
	_ =	sdelay $0x1  }
0xa2: {  	v3 =	vadd.s32 v1, v3;
	_ =	sdelay $0x2  }
0xa3: {  	[tilespmem:s22], [sflag:$0x1] =	stream.indirect_vreg.gather [hbm4b:s1+s3], $0x80, v4, vm0, $0xb8;
	[tilespmem:$0x8080] =	vst v63  }
0xa4: {  	_ = 	snop  }
0xa5: {  	[tilespmem:s23], [sflag:$0x1] =	stream.indirect_vreg.gather [hbm4b:s1+s3], $0x80, v3, vm0, $0xb8;
	[tilespmem:$0x8080] =	vst v63  }
0xa6: {  	v3 =	vld [tilespmem:$0x50];
	_ =	sdelay $0x4  }
0xa7: {  	v45 =	vshll.u32 v3, $0x1  }
0xa8: {  	v3 =	vand.u32 $0x7, v3;
	v4 =	vand.u32 $0xFFFFFFF0, v45  }
0xa9: {  	v3 =	vor.u32 v3, v4  }
0xaa: {  	v4 =	vperm.xlane v3, v0;
	_ =	sdelay $0x1  }
0xab: {  	v3 =	vperm.xlane v3, v2;
	v4 =	vadd.s32 v1, v4;
	_ =	sdelay $0x1  }
0xac: {  	v3 =	vadd.s32 v1, v3;
	_ =	sdelay $0x2  }
0xad: {  	[tilespmem:s24], [sflag:$0x1] =	stream.indirect_vreg.gather [hbm4b:s1+s3], $0x80, v4, vm0, $0xb8;
	[tilespmem:$0x8080] =	vst v63  }
0xae: {  	_ = 	snop  }
0xaf: {  	[tilespmem:s25], [sflag:$0x1] =	stream.indirect_vreg.gather [hbm4b:s1+s3], $0x80, v3, vm0, $0xb8;
	[tilespmem:$0x8080] =	vst v63  }
0xb0: {  	v3 =	vld [tilespmem:$0x60];
	_ =	sdelay $0x4  }
0xb1: {  	v46 =	vshll.u32 v3, $0x1  }
0xb2: {  	v3 =	vand.u32 $0x7, v3;
	v4 =	vand.u32 $0xFFFFFFF0, v46  }
0xb3: {  	v3 =	vor.u32 v3, v4  }
0xb4: {  	v4 =	vperm.xlane v3, v0;
	_ =	sdelay $0x1  }
0xb5: {  	v3 =	vperm.xlane v3, v2;
	v4 =	vadd.s32 v1, v4;
	_ =	sdelay $0x1  }
0xb6: {  	v3 =	vadd.s32 v1, v3;
	_ =	sdelay $0x2  }
0xb7: {  	[tilespmem:s26], [sflag:$0x1] =	stream.indirect_vreg.gather [hbm4b:s1+s3], $0x80, v4, vm0, $0xb8;
	[tilespmem:$0x8080] =	vst v63  }
0xb8: {  	_ = 	snop  }
0xb9: {  	[tilespmem:s28], [sflag:$0x1] =	stream.indirect_vreg.gather [hbm4b:s1+s3], $0x80, v3, vm0, $0xb8;
	[tilespmem:$0x8080] =	vst v63  }
0xba: {  	v3 =	vld [tilespmem:$0x70];
	_ =	sdelay $0x4  }
0xbb: {  	v47 =	vshll.u32 v3, $0x1  }
0xbc: {  	v3 =	vand.u32 $0x7, v3;
	v4 =	vand.u32 $0xFFFFFFF0, v47  }
0xbd: {  	v3 =	vor.u32 v3, v4  }
0xbe: {  	v4 =	vperm.xlane v3, v0;
	_ =	sdelay $0x1  }
0xbf: {  	v3 =	vperm.xlane v3, v2;
	v4 =	vadd.s32 v1, v4;
	_ =	sdelay $0x1  }
0xc0: {  	v3 =	vadd.s32 v1, v3;
	_ =	sdelay $0x2  }
0xc1: {  	[tilespmem:s29], [sflag:$0x1] =	stream.indirect_vreg.gather [hbm4b:s1+s3], $0x80, v4, vm0, $0xb8;
	[tilespmem:$0x8080] =	vst v63  }
0xc2: {  	_ = 	snop  }
0xc3: {  	[tilespmem:s30], [sflag:$0x1] =	stream.indirect_vreg.gather [hbm4b:s1+s3], $0x80, v3, vm0, $0xb8;
	[tilespmem:$0x8080] =	vst v63  }
0xc4: {  	_ =	swait.ge [sflag:s31], $0x8000  }
0xc5: {  	[sflag:s31] =	ssyncset.done $0x0  }
0xc6: {  	[sflag:s31] =	ssyncadd.s32 $0xFFFF8000  }
0xc7: {  	[hbm4b:s7+s3] =	stream.linear.scatter [tilespmem:s14], [sflag:$0x2], $0x8000, $0x38;
	[tilespmem:$0x8080] =	vst v63  }
0xc8: {  	_ =	swait.ge [sflag:s13], $0x8000  }
0xc9: {  	[sflag:s13] =	ssyncset.done $0x0  }
0xca: {  	[sflag:s13] =	ssyncadd.s32 $0xFFFF8000  }
0xcb: {  	[tilespmem:s3], [sflag:$0x2] =	stream.linear.gather [hbm4b:s8+s3], $0x80, $0x38;
	[tilespmem:$0x8080] =	vst v63  }
0xcc: {  	_ =	swait.ge [sflag:s13], $0x80  }
0xcd: {  	[sflag:s13] =	ssyncset.done $0x0  }
0xce: {  	[sflag:s13] =	ssyncadd.s32 $0xFFFFFF80  }
0xcf: {  	v3 =	vld [tilespmem:$0x0];
	_ =	sdelay $0x4  }
0xd0: {  	v48 =	vshll.u32 v3, $0x1  }
0xd1: {  	v3 =	vand.u32 $0x7, v3;
	v4 =	vand.u32 $0xFFFFFFF0, v48  }
0xd2: {  	v3 =	vor.u32 v3, v4  }
0xd3: {  	v4 =	vperm.xlane v3, v0;
	_ =	sdelay $0x1  }
0xd4: {  	v3 =	vperm.xlane v3, v2;
	v4 =	vadd.s32 v1, v4;
	_ =	sdelay $0x1  }
0xd5: {  	v3 =	vadd.s32 v1, v3;
	_ =	sdelay $0x2  }
0xd6: {  	[tilespmem:s14], [sflag:$0x1] =	stream.indirect_vreg.gather [hbm4b:s1+s3], $0x80, v4, vm0, $0xb8;
	[tilespmem:$0x8080] =	vst v63  }
0xd7: {  	_ = 	snop  }
0xd8: {  	[tilespmem:s15], [sflag:$0x1] =	stream.indirect_vreg.gather [hbm4b:s1+s3], $0x80, v3, vm0, $0xb8;
	[tilespmem:$0x8080] =	vst v63  }
0xd9: {  	v3 =	vld [tilespmem:$0x10];
	_ =	sdelay $0x4  }
0xda: {  	v49 =	vshll.u32 v3, $0x1  }
0xdb: {  	v3 =	vand.u32 $0x7, v3;
	v4 =	vand.u32 $0xFFFFFFF0, v49  }
0xdc: {  	v3 =	vor.u32 v3, v4  }
0xdd: {  	v4 =	vperm.xlane v3, v0;
	_ =	sdelay $0x1  }
0xde: {  	v3 =	vperm.xlane v3, v2;
	v4 =	vadd.s32 v1, v4;
	_ =	sdelay $0x1  }
0xdf: {  	v3 =	vadd.s32 v1, v3;
	_ =	sdelay $0x2  }
0xe0: {  	[tilespmem:s16], [sflag:$0x1] =	stream.indirect_vreg.gather [hbm4b:s1+s3], $0x80, v4, vm0, $0xb8;
	[tilespmem:$0x8080] =	vst v63  }
0xe1: {  	_ = 	snop  }
0xe2: {  	[tilespmem:s17], [sflag:$0x1] =	stream.indirect_vreg.gather [hbm4b:s1+s3], $0x80, v3, vm0, $0xb8;
	[tilespmem:$0x8080] =	vst v63  }
0xe3: {  	v3 =	vld [tilespmem:$0x20];
	_ =	sdelay $0x4  }
0xe4: {  	v50 =	vshll.u32 v3, $0x1  }
0xe5: {  	v3 =	vand.u32 $0x7, v3;
	v4 =	vand.u32 $0xFFFFFFF0, v50  }
0xe6: {  	v3 =	vor.u32 v3, v4  }
0xe7: {  	v4 =	vperm.xlane v3, v0;
	_ =	sdelay $0x1  }
0xe8: {  	v3 =	vperm.xlane v3, v2;
	v4 =	vadd.s32 v1, v4;
	_ =	sdelay $0x1  }
0xe9: {  	v3 =	vadd.s32 v1, v3;
	_ =	sdelay $0x2  }
0xea: {  	[tilespmem:s18], [sflag:$0x1] =	stream.indirect_vreg.gather [hbm4b:s1+s3], $0x80, v4, vm0, $0xb8;
	[tilespmem:$0x8080] =	vst v63  }
0xeb: {  	_ = 	snop  }
0xec: {  	[tilespmem:s19], [sflag:$0x1] =	stream.indirect_vreg.gather [hbm4b:s1+s3], $0x80, v3, vm0, $0xb8;
	[tilespmem:$0x8080] =	vst v63  }
0xed: {  	v3 =	vld [tilespmem:$0x30];
	_ =	sdelay $0x4  }
0xee: {  	v51 =	vshll.u32 v3, $0x1  }
0xef: {  	v3 =	vand.u32 $0x7, v3;
	v4 =	vand.u32 $0xFFFFFFF0, v51  }
0xf0: {  	v3 =	vor.u32 v3, v4  }
0xf1: {  	v4 =	vperm.xlane v3, v0;
	_ =	sdelay $0x1  }
0xf2: {  	v3 =	vperm.xlane v3, v2;
	v4 =	vadd.s32 v1, v4;
	_ =	sdelay $0x1  }
0xf3: {  	v3 =	vadd.s32 v1, v3;
	_ =	sdelay $0x2  }
0xf4: {  	[tilespmem:s20], [sflag:$0x1] =	stream.indirect_vreg.gather [hbm4b:s1+s3], $0x80, v4, vm0, $0xb8;
	[tilespmem:$0x8080] =	vst v63  }
0xf5: {  	_ = 	snop  }
0xf6: {  	[tilespmem:s21], [sflag:$0x1] =	stream.indirect_vreg.gather [hbm4b:s1+s3], $0x80, v3, vm0, $0xb8;
	[tilespmem:$0x8080] =	vst v63  }
0xf7: {  	v3 =	vld [tilespmem:$0x40];
	_ =	sdelay $0x4  }
0xf8: {  	v52 =	vshll.u32 v3, $0x1  }
0xf9: {  	v3 =	vand.u32 $0x7, v3;
	v4 =	vand.u32 $0xFFFFFFF0, v52  }
0xfa: {  	v3 =	vor.u32 v3, v4  }
0xfb: {  	v4 =	vperm.xlane v3, v0;
	_ =	sdelay $0x1  }
0xfc: {  	v3 =	vperm.xlane v3, v2;
	v4 =	vadd.s32 v1, v4;
	_ =	sdelay $0x1  }
0xfd: {  	v3 =	vadd.s32 v1, v3;
	_ =	sdelay $0x2  }
0xfe: {  	[tilespmem:s22], [sflag:$0x1] =	stream.indirect_vreg.gather [hbm4b:s1+s3], $0x80, v4, vm0, $0xb8;
	[tilespmem:$0x8080] =	vst v63  }
0xff: {  	_ = 	snop  }
0x100: {  	[tilespmem:s23], [sflag:$0x1] =	stream.indirect_vreg.gather [hbm4b:s1+s3], $0x80, v3, vm0, $0xb8;
	[tilespmem:$0x8080] =	vst v63  }
0x101: {  	v3 =	vld [tilespmem:$0x50];
	_ =	sdelay $0x4  }
0x102: {  	v53 =	vshll.u32 v3, $0x1  }
0x103: {  	v3 =	vand.u32 $0x7, v3;
	v4 =	vand.u32 $0xFFFFFFF0, v53  }
0x104: {  	v3 =	vor.u32 v3, v4  }
0x105: {  	v4 =	vperm.xlane v3, v0;
	_ =	sdelay $0x1  }
0x106: {  	v3 =	vperm.xlane v3, v2;
	v4 =	vadd.s32 v1, v4;
	_ =	sdelay $0x1  }
0x107: {  	v3 =	vadd.s32 v1, v3;
	_ =	sdelay $0x2  }
0x108: {  	[tilespmem:s24], [sflag:$0x1] =	stream.indirect_vreg.gather [hbm4b:s1+s3], $0x80, v4, vm0, $0xb8;
	[tilespmem:$0x8080] =	vst v63  }
0x109: {  	_ = 	snop  }
0x10a: {  	[tilespmem:s25], [sflag:$0x1] =	stream.indirect_vreg.gather [hbm4b:s1+s3], $0x80, v3, vm0, $0xb8;
	[tilespmem:$0x8080] =	vst v63  }
0x10b: {  	v3 =	vld [tilespmem:$0x60];
	_ =	sdelay $0x4  }
0x10c: {  	v54 =	vshll.u32 v3, $0x1  }
0x10d: {  	v3 =	vand.u32 $0x7, v3;
	v4 =	vand.u32 $0xFFFFFFF0, v54  }
0x10e: {  	v3 =	vor.u32 v3, v4  }
0x10f: {  	v4 =	vperm.xlane v3, v0;
	_ =	sdelay $0x1  }
0x110: {  	v3 =	vperm.xlane v3, v2;
	v4 =	vadd.s32 v1, v4;
	_ =	sdelay $0x1  }
0x111: {  	v3 =	vadd.s32 v1, v3;
	_ =	sdelay $0x2  }
0x112: {  	[tilespmem:s26], [sflag:$0x1] =	stream.indirect_vreg.gather [hbm4b:s1+s3], $0x80, v4, vm0, $0xb8;
	[tilespmem:$0x8080] =	vst v63  }
0x113: {  	_ = 	snop  }
0x114: {  	[tilespmem:s28], [sflag:$0x1] =	stream.indirect_vreg.gather [hbm4b:s1+s3], $0x80, v3, vm0, $0xb8;
	[tilespmem:$0x8080] =	vst v63  }
0x115: {  	v3 =	vld [tilespmem:$0x70];
	_ =	sdelay $0x4  }
0x116: {  	v55 =	vshll.u32 v3, $0x1  }
0x117: {  	v3 =	vand.u32 $0x7, v3;
	v4 =	vand.u32 $0xFFFFFFF0, v55  }
0x118: {  	v3 =	vor.u32 v3, v4  }
0x119: {  	v4 =	vperm.xlane v3, v0;
	_ =	sdelay $0x1  }
0x11a: {  	v3 =	vperm.xlane v3, v2;
	v4 =	vadd.s32 v1, v4;
	_ =	sdelay $0x1  }
0x11b: {  	v3 =	vadd.s32 v1, v3;
	_ =	sdelay $0x2  }
0x11c: {  	[tilespmem:s29], [sflag:$0x1] =	stream.indirect_vreg.gather [hbm4b:s1+s3], $0x80, v4, vm0, $0xb8;
	[tilespmem:$0x8080] =	vst v63  }
0x11d: {  	_ = 	snop  }
0x11e: {  	[tilespmem:s30], [sflag:$0x1] =	stream.indirect_vreg.gather [hbm4b:s1+s3], $0x80, v3, vm0, $0xb8;
	[tilespmem:$0x8080] =	vst v63  }
0x11f: {  	_ =	swait.ge [sflag:s31], $0x8000  }
0x120: {  	[sflag:s31] =	ssyncset.done $0x0  }
0x121: {  	[sflag:s31] =	ssyncadd.s32 $0xFFFF8000  }
0x122: {  	[hbm4b:s9+s3] =	stream.linear.scatter [tilespmem:s14], [sflag:$0x2], $0x8000, $0x38;
	[tilespmem:$0x8080] =	vst v63  }
0x123: {  	_ =	swait.ge [sflag:s13], $0x8000  }
0x124: {  	[sflag:s13] =	ssyncset.done $0x0  }
0x125: {  	[sflag:s13] =	ssyncadd.s32 $0xFFFF8000  }
0x126: {  	[tilespmem:s3], [sflag:$0x2] =	stream.linear.gather [hbm4b:s10+s3], $0x80, $0x38;
	[tilespmem:$0x8080] =	vst v63  }
0x127: {  	_ =	swait.ge [sflag:s13], $0x80  }
0x128: {  	[sflag:s13] =	ssyncset.done $0x0  }
0x129: {  	[sflag:s13] =	ssyncadd.s32 $0xFFFFFF80  }
0x12a: {  	v3 =	vld [tilespmem:$0x0];
	_ =	sdelay $0x4  }
0x12b: {  	v56 =	vshll.u32 v3, $0x1  }
0x12c: {  	v3 =	vand.u32 $0x7, v3;
	v4 =	vand.u32 $0xFFFFFFF0, v56  }
0x12d: {  	v3 =	vor.u32 v3, v4  }
0x12e: {  	v4 =	vperm.xlane v3, v0;
	_ =	sdelay $0x1  }
0x12f: {  	v3 =	vperm.xlane v3, v2;
	v4 =	vadd.s32 v1, v4;
	_ =	sdelay $0x1  }
0x130: {  	v3 =	vadd.s32 v1, v3;
	_ =	sdelay $0x2  }
0x131: {  	[tilespmem:s14], [sflag:$0x1] =	stream.indirect_vreg.gather [hbm4b:s1+s3], $0x80, v4, vm0, $0xb8;
	[tilespmem:$0x8080] =	vst v63  }
0x132: {  	_ = 	snop  }
0x133: {  	[tilespmem:s15], [sflag:$0x1] =	stream.indirect_vreg.gather [hbm4b:s1+s3], $0x80, v3, vm0, $0xb8;
	[tilespmem:$0x8080] =	vst v63  }
0x134: {  	v3 =	vld [tilespmem:$0x10];
	_ =	sdelay $0x4  }
0x135: {  	v57 =	vshll.u32 v3, $0x1  }
0x136: {  	v3 =	vand.u32 $0x7, v3;
	v4 =	vand.u32 $0xFFFFFFF0, v57  }
0x137: {  	v3 =	vor.u32 v3, v4  }
0x138: {  	v4 =	vperm.xlane v3, v0;
	_ =	sdelay $0x1  }
0x139: {  	v3 =	vperm.xlane v3, v2;
	v4 =	vadd.s32 v1, v4;
	_ =	sdelay $0x1  }
0x13a: {  	v3 =	vadd.s32 v1, v3;
	_ =	sdelay $0x2  }
0x13b: {  	[tilespmem:s16], [sflag:$0x1] =	stream.indirect_vreg.gather [hbm4b:s1+s3], $0x80, v4, vm0, $0xb8;
	[tilespmem:$0x8080] =	vst v63  }
0x13c: {  	_ = 	snop  }
0x13d: {  	[tilespmem:s17], [sflag:$0x1] =	stream.indirect_vreg.gather [hbm4b:s1+s3], $0x80, v3, vm0, $0xb8;
	[tilespmem:$0x8080] =	vst v63  }
0x13e: {  	v3 =	vld [tilespmem:$0x20];
	_ =	sdelay $0x4  }
0x13f: {  	v58 =	vshll.u32 v3, $0x1  }
0x140: {  	v3 =	vand.u32 $0x7, v3;
	v4 =	vand.u32 $0xFFFFFFF0, v58  }
0x141: {  	v3 =	vor.u32 v3, v4  }
0x142: {  	v4 =	vperm.xlane v3, v0;
	_ =	sdelay $0x1  }
0x143: {  	v3 =	vperm.xlane v3, v2;
	v4 =	vadd.s32 v1, v4;
	_ =	sdelay $0x1  }
0x144: {  	v3 =	vadd.s32 v1, v3;
	_ =	sdelay $0x2  }
0x145: {  	[tilespmem:s18], [sflag:$0x1] =	stream.indirect_vreg.gather [hbm4b:s1+s3], $0x80, v4, vm0, $0xb8;
	[tilespmem:$0x8080] =	vst v63  }
0x146: {  	_ = 	snop  }
0x147: {  	[tilespmem:s19], [sflag:$0x1] =	stream.indirect_vreg.gather [hbm4b:s1+s3], $0x80, v3, vm0, $0xb8;
	[tilespmem:$0x8080] =	vst v63  }
0x148: {  	v3 =	vld [tilespmem:$0x30];
	_ =	sdelay $0x4  }
0x149: {  	v59 =	vshll.u32 v3, $0x1  }
0x14a: {  	v3 =	vand.u32 $0x7, v3;
	v4 =	vand.u32 $0xFFFFFFF0, v59  }
0x14b: {  	v3 =	vor.u32 v3, v4  }
0x14c: {  	v4 =	vperm.xlane v3, v0;
	_ =	sdelay $0x1  }
0x14d: {  	v3 =	vperm.xlane v3, v2;
	v4 =	vadd.s32 v1, v4;
	_ =	sdelay $0x1  }
0x14e: {  	v3 =	vadd.s32 v1, v3;
	_ =	sdelay $0x2  }
0x14f: {  	[tilespmem:s20], [sflag:$0x1] =	stream.indirect_vreg.gather [hbm4b:s1+s3], $0x80, v4, vm0, $0xb8;
	[tilespmem:$0x8080] =	vst v63  }
0x150: {  	_ = 	snop  }
0x151: {  	[tilespmem:s21], [sflag:$0x1] =	stream.indirect_vreg.gather [hbm4b:s1+s3], $0x80, v3, vm0, $0xb8;
	[tilespmem:$0x8080] =	vst v63  }
0x152: {  	v3 =	vld [tilespmem:$0x40];
	_ =	sdelay $0x4  }
0x153: {  	v60 =	vshll.u32 v3, $0x1  }
0x154: {  	v3 =	vand.u32 $0x7, v3;
	v4 =	vand.u32 $0xFFFFFFF0, v60  }
0x155: {  	v3 =	vor.u32 v3, v4  }
0x156: {  	v4 =	vperm.xlane v3, v0;
	_ =	sdelay $0x1  }
0x157: {  	v3 =	vperm.xlane v3, v2;
	v4 =	vadd.s32 v1, v4;
	_ =	sdelay $0x1  }
0x158: {  	v3 =	vadd.s32 v1, v3;
	_ =	sdelay $0x2  }
0x159: {  	[tilespmem:s22], [sflag:$0x1] =	stream.indirect_vreg.gather [hbm4b:s1+s3], $0x80, v4, vm0, $0xb8;
	[tilespmem:$0x8080] =	vst v63  }
0x15a: {  	_ = 	snop  }
0x15b: {  	[tilespmem:s23], [sflag:$0x1] =	stream.indirect_vreg.gather [hbm4b:s1+s3], $0x80, v3, vm0, $0xb8;
	[tilespmem:$0x8080] =	vst v63  }
0x15c: {  	v3 =	vld [tilespmem:$0x50];
	_ =	sdelay $0x4  }
0x15d: {  	v61 =	vshll.u32 v3, $0x1  }
0x15e: {  	v3 =	vand.u32 $0x7, v3;
	v4 =	vand.u32 $0xFFFFFFF0, v61  }
0x15f: {  	v3 =	vor.u32 v3, v4  }
0x160: {  	v4 =	vperm.xlane v3, v0;
	_ =	sdelay $0x1  }
0x161: {  	v3 =	vperm.xlane v3, v2;
	v4 =	vadd.s32 v1, v4;
	_ =	sdelay $0x1  }
0x162: {  	v3 =	vadd.s32 v1, v3;
	_ =	sdelay $0x2  }
0x163: {  	[tilespmem:s24], [sflag:$0x1] =	stream.indirect_vreg.gather [hbm4b:s1+s3], $0x80, v4, vm0, $0xb8;
	[tilespmem:$0x8080] =	vst v63  }
0x164: {  	_ = 	snop  }
0x165: {  	[tilespmem:s25], [sflag:$0x1] =	stream.indirect_vreg.gather [hbm4b:s1+s3], $0x80, v3, vm0, $0xb8;
	[tilespmem:$0x8080] =	vst v63  }
0x166: {  	v3 =	vld [tilespmem:$0x60];
	_ =	sdelay $0x4  }
0x167: {  	v62 =	vshll.u32 v3, $0x1  }
0x168: {  	v3 =	vand.u32 $0x7, v3;
	v4 =	vand.u32 $0xFFFFFFF0, v62  }
0x169: {  	v3 =	vor.u32 v3, v4  }
0x16a: {  	v4 =	vperm.xlane v3, v0;
	_ =	sdelay $0x1  }
0x16b: {  	v3 =	vperm.xlane v3, v2;
	v4 =	vadd.s32 v1, v4;
	_ =	sdelay $0x1  }
0x16c: {  	v3 =	vadd.s32 v1, v3;
	_ =	sdelay $0x2  }
0x16d: {  	[tilespmem:s26], [sflag:$0x1] =	stream.indirect_vreg.gather [hbm4b:s1+s3], $0x80, v4, vm0, $0xb8;
	[tilespmem:$0x8080] =	vst v63  }
0x16e: {  	_ = 	snop  }
0x16f: {  	[tilespmem:s28], [sflag:$0x1] =	stream.indirect_vreg.gather [hbm4b:s1+s3], $0x80, v3, vm0, $0xb8;
	[tilespmem:$0x8080] =	vst v63  }
0x170: {  	v3 =	vld [tilespmem:$0x70];
	_ =	sdelay $0x4  }
0x171: {  	v63 =	vshll.u32 v3, $0x1  }
0x172: {  	v3 =	vand.u32 $0x7, v3;
	v4 =	vand.u32 $0xFFFFFFF0, v63  }
0x173: {  	v3 =	vor.u32 v3, v4  }
0x174: {  	v4 =	vperm.xlane v3, v0;
	_ =	sdelay $0x1  }
0x175: {  	v3 =	vperm.xlane v3, v2;
	v4 =	vadd.s32 v1, v4;
	_ =	sdelay $0x1  }
0x176: {  	v3 =	vadd.s32 v1, v3;
	_ =	sdelay $0x2  }
0x177: {  	[tilespmem:s29], [sflag:$0x1] =	stream.indirect_vreg.gather [hbm4b:s1+s3], $0x80, v4, vm0, $0xb8;
	[tilespmem:$0x8080] =	vst v63  }
0x178: {  	_ = 	snop  }
0x179: {  	[tilespmem:s30], [sflag:$0x1] =	stream.indirect_vreg.gather [hbm4b:s1+s3], $0x80, v3, vm0, $0xb8;
	[tilespmem:$0x8080] =	vst v63  }
0x17a: {  	_ =	swait.ge [sflag:s31], $0x8000  }
0x17b: {  	p0 =	sne.s32 s12, $0x1;
	[sflag:s31] =	ssyncset.done $0x0  }
.Ltmp0:
0x17c: {  	[sflag:s31] =	ssyncadd.s32 $0xFFFF8000;
	(pc) =	sbr.rel @p0 .LBB2_1-.Ltmp0, $4  }
0x17d: {  	[hbm4b:s11+s3] =	stream.linear.scatter [tilespmem:s14], [sflag:$0x2], $0x8000, $0x38;
	[tilespmem:$0x8080] =	vst v63  }
0x17e: {  	_ =	swait.ge [sflag:s13], $0x8000  }
0x17f: {  	[sflag:s13] =	ssyncset.done $0x0  }
0x180: {  	s12 =	sadd.s32 $0xFFFFFFFF, s12;
	[sflag:s13] =	ssyncadd.s32 $0xFFFF8000  }
0x181: {  	_ =	sfence.sel $0x180000  }
0x182: {  	[bflag:$0x0] =	sbarrier.arrive $0xFFFF  }
0x183: {  	p0 =	sne.s32 s2, $0x0;
	_ =	strace $0x90000047  }
0x184: {  	s0 =	sadd.s32 @!p0 $0x100000, s0;
	[bflag:$0x2] =	sbarrier.arrive $0xFFFF  }
0x185: {  	[sflag:s0] =	ssyncadd.tile.s32 @!p0 $0x1;
	_ =	shalt  }
.Lfunc_end2:
_tile_overlayer_lowered:
.L_overlay_start_2:
0x186: {  	(tag) =	ssettag $0x2  }
0x187: {  	s0 =	rddreg [dreg:$0x0];
	s2 =	stileid.u32  }
0x188: {  	s1 =	rddreg [dreg:$0x1];
	p0 =	sne.s32 s2, $0x0  }
0x189: {  	s3 =	rddreg [dreg:$0x2];
	[bflag:$0x3] =	sbarrier.arrive $0xFFFF;
	s2 =	simm.s32 @!p0 $0x1C02  }
0x18a: {  	[timem:s3], [sflag:s2] =	dma.local @!p0 [hbm:s0], s1  }
0x18b: {  	s0 =	simm.s32 @!p0 $0x2  }
0x18c: {  	_ =	swait.ge @!p0 [sflag:s0], s1  }
0x18d: {  	s1 =	ssub.s32 @!p0 $0x0, s1;
	[sflag:s0] =	ssyncset.done @!p0 $0x0  }
0x18e: {  	[sflag:s0] =	ssyncadd.s32 @!p0 s1  }
0x18f: {  	[bflag:$0x3] =	sbarrier.arrive $0xFFFF  }
0x190: {  	_ =	shalt  }

</sc_bundles>
